<compile_context>
chip_gen: v7x
topology: tpu7x:2x2x1
jax: 0.10.2.dev20260603
libtpu: 0.0.44.dev20260713+nightly
codegen_flags: <defaults>
</compile_context>

<pallas_src>
import jax
import jax.numpy as jnp
from jax import lax
from jax.experimental import pallas as pl
from jax.experimental.pallas import tpu as pltpu
from jax.experimental.pallas import tpu_sc as plsc

DIM = 32
NBUF = 6
ROWS_PER_BUF = 8
NUM_CORES = 2
NUM_SUBCORES = 16
NUM_WORKERS = NUM_CORES * NUM_SUBCORES


def _gather_body(table_hbm, idx_hbm, out_hbm, idx_v, rows_v, sem_g, sem_s):
    wid = lax.axis_index("s") * NUM_CORES + lax.axis_index("c")
    per_b = idx_v.shape[0]
    n = per_b // ROWS_PER_BUF
    base = wid * per_b
    pltpu.sync_copy(idx_hbm.at[pl.ds(base, per_b)], idx_v)

    def fire_gathers(i):
        buf = lax.rem(i, NBUF)
        for r in range(ROWS_PER_BUF):
            pltpu.async_copy(
                table_hbm.at[idx_v.at[i * ROWS_PER_BUF + r]],
                rows_v.at[buf, r],
                sem_g,
            )

    def wait_gathers(i):
        buf = lax.rem(i, NBUF)
        for r in range(ROWS_PER_BUF):
            pltpu.make_async_copy(
                table_hbm.at[idx_v.at[i * ROWS_PER_BUF + r]],
                rows_v.at[buf, r],
                sem_g,
            ).wait()

    def fire_store(i):
        buf = lax.rem(i, NBUF)
        pltpu.async_copy(
            rows_v.at[buf],
            out_hbm.at[pl.ds(base + i * ROWS_PER_BUF, ROWS_PER_BUF)],
            sem_s,
        )

    def wait_store(i):
        buf = lax.rem(i, NBUF)
        pltpu.make_async_copy(
            rows_v.at[buf],
            out_hbm.at[pl.ds(base + i * ROWS_PER_BUF, ROWS_PER_BUF)],
            sem_s,
        ).wait()

    for i in range(NBUF - 1):
        fire_gathers(jnp.int32(i))

    def body(i, carry):
        wait_gathers(i)
        fire_store(i)

        @pl.when(i >= 1)
        def _():
            wait_store(i - 1)

        @pl.when(i + (NBUF - 1) < n)
        def _():
            fire_gathers(i + (NBUF - 1))

        return carry

    lax.fori_loop(0, n, body, 0)
    wait_store(jnp.int32(n - 1))


def kernel(entities, table):
    b, h = entities.shape
    idx = entities.astype(jnp.int32)
    per_b = b // NUM_WORKERS

    mesh = plsc.VectorSubcoreMesh(core_axis_name="c", subcore_axis_name="s")
    out = pl.kernel(
        _gather_body,
        out_type=jax.ShapeDtypeStruct((b, h, DIM), jnp.float32),
        mesh=mesh,
        scratch_types=[
            pltpu.VMEM((per_b, h), jnp.int32),
            pltpu.VMEM((NBUF, ROWS_PER_BUF, h, DIM), jnp.float32),
            pltpu.SemaphoreType.DMA,
            pltpu.SemaphoreType.DMA,
        ],
        compiler_params=pltpu.CompilerParams(use_tc_tiling_on_sc=False),
    )(table, idx)
    return out

# --- scband reference (transcript-rebuilt; emitter-appended) ---
"""Pipeline reference for scband-entity-embedding-orthogonal-5179730559699 (READ-ONLY COPY).

The authoritative reference and input builder live on the scoring server;
editing this copy changes nothing except your own understanding.
"""

import jax, jax.numpy as jnp
import numpy as np

N_ENTITIES = 1000000
EMBED_DIM = 32
BATCH = 16384
HIST = 50

def setup_inputs(seed: int = 0) -> dict:
    key = jax.random.key(seed)
    k_idx, k_tab = jax.random.split(key)
    entities = jax.random.randint(k_idx, (BATCH, HIST), 0, N_ENTITIES, dtype=jnp.int64 if jax.config.read('jax_enable_x64') else jnp.int32)
    # Embedding table (orthogonal init in torch; random normal is computationally equivalent for the lookup)
    table = jax.random.normal(k_tab, (N_ENTITIES, EMBED_DIM), dtype=jnp.float32)
    return {"entities": entities, "table": table}

def reference(entities, table):
    # nn.Embedding with max_norm=None is a pure row gather
    return jnp.take(table, entities, axis=0)

if __name__ == "__main__":
    import jax
    _d = setup_inputs()
    print(jax.jit(kernel)(*tuple(_d.values())))

</pallas_src>

<mosaic_0001>
#map = affine_map<(d0, d1) -> (0, 0)>
#map1 = affine_map<(d0, d1) -> (0, 0, 0)>
module attributes {stable_mosaic.version = 14 : i64} {
  func.func @_gather_body(%arg0: i32, %arg1: i32, %arg2: memref<1000000x32xf32, #tpu.memory_space<hbm>>, %arg3: memref<16384x50xi32, #tpu.memory_space<hbm>>, %arg4: memref<16384x50x32xf32, #tpu.memory_space<hbm>>, %arg5: memref<512x50xi32, #tpu.memory_space<vmem>>, %arg6: memref<6x8x50x32xf32, #tpu.memory_space<vmem>>, %arg7: memref<!tpu.dma_semaphore, #tpu.memory_space<semaphore_mem>>, %arg8: memref<!tpu.dma_semaphore, #tpu.memory_space<semaphore_mem>>) attributes {dimension_semantics = [#tpu.dimension_semantics<core_parallel>, #tpu.dimension_semantics<subcore_parallel>], iteration_bounds = array<i64: 2, 16>, scalar_prefetch = 0 : i64, scratch_operands = 4 : i64, tpu.core_type = #tpu.core_type<sc_vector_subcore>, window_params = [{transform_indices = #map}, {transform_indices = #map}, {transform_indices = #map1}]} {
    %mul3A = arith.constant 2 : i32
    %mul3A_0 = arith.muli %arg1, %mul3A : i32
    %add3A = arith.addi %mul3A_0, %arg0 : i32
    %mul3A_1 = arith.constant 512 : i32
    %mul3A_2 = arith.muli %add3A, %mul3A_1 : i32
    "tpu.region"() ({
      %run_scoped3A = tpu.sem_alloc : memref<!tpu.dma_semaphore, #tpu.memory_space<semaphore_mem>>
      %dma_start3A_683 = arith.constant 0 : i32
      %dma_start3A_684 = tpu.memref_slice %arg3[%mul3A_2, %dma_start3A_683] : memref<16384x50xi32, #tpu.memory_space<hbm>> -> memref<512x50xi32, #tpu.memory_space<hbm>>
      %dma_start3A_685 = arith.constant 0 : i32
      %dma_start3A_686 = tpu.memref_slice %arg3[%mul3A_2, %dma_start3A_685] : memref<16384x50xi32, #tpu.memory_space<hbm>> -> memref<512x50xi32, #tpu.memory_space<hbm>>
      tpu.enqueue_dma source(%dma_start3A_686 : memref<512x50xi32, #tpu.memory_space<hbm>>) target(%arg5 : memref<512x50xi32, #tpu.memory_space<vmem>>) target_semaphore(%run_scoped3A : memref<!tpu.dma_semaphore, #tpu.memory_space<semaphore_mem>>)
      %dma_wait3A_687 = arith.constant 0 : i32
      %dma_wait3A_688 = tpu.memref_slice %arg3[%mul3A_2, %dma_wait3A_687] : memref<16384x50xi32, #tpu.memory_space<hbm>> -> memref<512x50xi32, #tpu.memory_space<hbm>>
      %dma_wait3A_689 = arith.constant 0 : i32
      %dma_wait3A_690 = tpu.memref_slice %arg3[%mul3A_2, %dma_wait3A_689] : memref<16384x50xi32, #tpu.memory_space<hbm>> -> memref<512x50xi32, #tpu.memory_space<hbm>>
      tpu.wait_dma2 semaphore(%run_scoped3A : memref<!tpu.dma_semaphore, #tpu.memory_space<semaphore_mem>>) src(%dma_wait3A_690 : memref<512x50xi32, #tpu.memory_space<hbm>>) dst(%arg5 : memref<512x50xi32, #tpu.memory_space<vmem>>)
      tpu.yield
    }) : () -> ()
    %rem3A = arith.constant 0 : i32
    %rem3A_3 = arith.constant 6 : i32
    %rem3A_4 = arith.remsi %rem3A, %rem3A_3 : i32
    %mul3A_5 = arith.constant 0 : i32
    %mul3A_6 = arith.constant 8 : i32
    %mul3A_7 = arith.muli %mul3A_5, %mul3A_6 : i32
    %add3A_8 = arith.constant 0 : i32
    %add3A_9 = arith.addi %mul3A_7, %add3A_8 : i32
    %dma_start3A = arith.constant 0 : i32
    %dma_start3A_10 = arith.constant 0 : i32
    %dma_start3A_11 = arith.constant 0 : i32
    %dma_start3A_12 = tpu.memref_slice %arg6[%rem3A_4, %dma_start3A, %dma_start3A_10, %dma_start3A_11] : memref<6x8x50x32xf32, #tpu.memory_space<vmem>> -> memref<1x1x50x32xf32, #tpu.memory_space<vmem>>
    %dma_start3A_13 = tpu.memref_squeeze %dma_start3A_12 : memref<1x1x50x32xf32, #tpu.memory_space<vmem>> -> memref<50x32xf32, #tpu.memory_space<vmem>>
    %dma_start3A_14 = arith.constant 0 : i32
    %dma_start3A_15 = tpu.memref_slice %arg5[%add3A_9, %dma_start3A_14] : memref<512x50xi32, #tpu.memory_space<vmem>> -> memref<1x50xi32, #tpu.memory_space<vmem>>
    %dma_start3A_16 = tpu.memref_squeeze %dma_start3A_15 : memref<1x50xi32, #tpu.memory_space<vmem>> -> memref<50xi32, #tpu.memory_space<vmem>>
    %dma_start3A_17 = arith.constant 0 : i32
    %dma_start3A_18 = arith.constant 0 : i32
    %dma_start3A_19 = tpu.memref_slice %arg2[%dma_start3A_17, %dma_start3A_18] : memref<1000000x32xf32, #tpu.memory_space<hbm>> -> memref<1000000x32xf32, #tpu.memory_space<hbm>>
    tpu.enqueue_indirect_dma source(%dma_start3A_19 : memref<1000000x32xf32, #tpu.memory_space<hbm>>) target(%dma_start3A_13 : memref<50x32xf32, #tpu.memory_space<vmem>>) offsets(%dma_start3A_16 : memref<50xi32, #tpu.memory_space<vmem>>) semaphore(%arg7 : memref<!tpu.dma_semaphore, #tpu.memory_space<semaphore_mem>>)
    %mul3A_20 = arith.constant 0 : i32
    %mul3A_21 = arith.constant 8 : i32
    %mul3A_22 = arith.muli %mul3A_20, %mul3A_21 : i32
    %add3A_23 = arith.constant 1 : i32
    %add3A_24 = arith.addi %mul3A_22, %add3A_23 : i32
    %dma_start3A_25 = arith.constant 1 : i32
    %dma_start3A_26 = arith.constant 0 : i32
    %dma_start3A_27 = arith.constant 0 : i32
    %dma_start3A_28 = tpu.memref_slice %arg6[%rem3A_4, %dma_start3A_25, %dma_start3A_26, %dma_start3A_27] : memref<6x8x50x32xf32, #tpu.memory_space<vmem>> -> memref<1x1x50x32xf32, #tpu.memory_space<vmem>>
    %dma_start3A_29 = tpu.memref_squeeze %dma_start3A_28 : memref<1x1x50x32xf32, #tpu.memory_space<vmem>> -> memref<50x32xf32, #tpu.memory_space<vmem>>
    %dma_start3A_30 = arith.constant 0 : i32
    %dma_start3A_31 = tpu.memref_slice %arg5[%add3A_24, %dma_start3A_30] : memref<512x50xi32, #tpu.memory_space<vmem>> -> memref<1x50xi32, #tpu.memory_space<vmem>>
    %dma_start3A_32 = tpu.memref_squeeze %dma_start3A_31 : memref<1x50xi32, #tpu.memory_space<vmem>> -> memref<50xi32, #tpu.memory_space<vmem>>
    %dma_start3A_33 = arith.constant 0 : i32
    %dma_start3A_34 = arith.constant 0 : i32
    %dma_start3A_35 = tpu.memref_slice %arg2[%dma_start3A_33, %dma_start3A_34] : memref<1000000x32xf32, #tpu.memory_space<hbm>> -> memref<1000000x32xf32, #tpu.memory_space<hbm>>
    tpu.enqueue_indirect_dma source(%dma_start3A_35 : memref<1000000x32xf32, #tpu.memory_space<hbm>>) target(%dma_start3A_29 : memref<50x32xf32, #tpu.memory_space<vmem>>) offsets(%dma_start3A_32 : memref<50xi32, #tpu.memory_space<vmem>>) semaphore(%arg7 : memref<!tpu.dma_semaphore, #tpu.memory_space<semaphore_mem>>)
    %mul3A_36 = arith.constant 0 : i32
    %mul3A_37 = arith.constant 8 : i32
    %mul3A_38 = arith.muli %mul3A_36, %mul3A_37 : i32
    %add3A_39 = arith.constant 2 : i32
    %add3A_40 = arith.addi %mul3A_38, %add3A_39 : i32
    %dma_start3A_41 = arith.constant 2 : i32
    %dma_start3A_42 = arith.constant 0 : i32
    %dma_start3A_43 = arith.constant 0 : i32
    %dma_start3A_44 = tpu.memref_slice %arg6[%rem3A_4, %dma_start3A_41, %dma_start3A_42, %dma_start3A_43] : memref<6x8x50x32xf32, #tpu.memory_space<vmem>> -> memref<1x1x50x32xf32, #tpu.memory_space<vmem>>
    %dma_start3A_45 = tpu.memref_squeeze %dma_start3A_44 : memref<1x1x50x32xf32, #tpu.memory_space<vmem>> -> memref<50x32xf32, #tpu.memory_space<vmem>>
    %dma_start3A_46 = arith.constant 0 : i32
    %dma_start3A_47 = tpu.memref_slice %arg5[%add3A_40, %dma_start3A_46] : memref<512x50xi32, #tpu.memory_space<vmem>> -> memref<1x50xi32, #tpu.memory_space<vmem>>
    %dma_start3A_48 = tpu.memref_squeeze %dma_start3A_47 : memref<1x50xi32, #tpu.memory_space<vmem>> -> memref<50xi32, #tpu.memory_space<vmem>>
    %dma_start3A_49 = arith.constant 0 : i32
    %dma_start3A_50 = arith.constant 0 : i32
    %dma_start3A_51 = tpu.memref_slice %arg2[%dma_start3A_49, %dma_start3A_50] : memref<1000000x32xf32, #tpu.memory_space<hbm>> -> memref<1000000x32xf32, #tpu.memory_space<hbm>>
    tpu.enqueue_indirect_dma source(%dma_start3A_51 : memref<1000000x32xf32, #tpu.memory_space<hbm>>) target(%dma_start3A_45 : memref<50x32xf32, #tpu.memory_space<vmem>>) offsets(%dma_start3A_48 : memref<50xi32, #tpu.memory_space<vmem>>) semaphore(%arg7 : memref<!tpu.dma_semaphore, #tpu.memory_space<semaphore_mem>>)
    %mul3A_52 = arith.constant 0 : i32
    %mul3A_53 = arith.constant 8 : i32
    %mul3A_54 = arith.muli %mul3A_52, %mul3A_53 : i32
    %add3A_55 = arith.constant 3 : i32
    %add3A_56 = arith.addi %mul3A_54, %add3A_55 : i32
    %dma_start3A_57 = arith.constant 3 : i32
    %dma_start3A_58 = arith.constant 0 : i32
    %dma_start3A_59 = arith.constant 0 : i32
    %dma_start3A_60 = tpu.memref_slice %arg6[%rem3A_4, %dma_start3A_57, %dma_start3A_58, %dma_start3A_59] : memref<6x8x50x32xf32, #tpu.memory_space<vmem>> -> memref<1x1x50x32xf32, #tpu.memory_space<vmem>>
    %dma_start3A_61 = tpu.memref_squeeze %dma_start3A_60 : memref<1x1x50x32xf32, #tpu.memory_space<vmem>> -> memref<50x32xf32, #tpu.memory_space<vmem>>
    %dma_start3A_62 = arith.constant 0 : i32
    %dma_start3A_63 = tpu.memref_slice %arg5[%add3A_56, %dma_start3A_62] : memref<512x50xi32, #tpu.memory_space<vmem>> -> memref<1x50xi32, #tpu.memory_space<vmem>>
    %dma_start3A_64 = tpu.memref_squeeze %dma_start3A_63 : memref<1x50xi32, #tpu.memory_space<vmem>> -> memref<50xi32, #tpu.memory_space<vmem>>
    %dma_start3A_65 = arith.constant 0 : i32
    %dma_start3A_66 = arith.constant 0 : i32
    %dma_start3A_67 = tpu.memref_slice %arg2[%dma_start3A_65, %dma_start3A_66] : memref<1000000x32xf32, #tpu.memory_space<hbm>> -> memref<1000000x32xf32, #tpu.memory_space<hbm>>
    tpu.enqueue_indirect_dma source(%dma_start3A_67 : memref<1000000x32xf32, #tpu.memory_space<hbm>>) target(%dma_start3A_61 : memref<50x32xf32, #tpu.memory_space<vmem>>) offsets(%dma_start3A_64 : memref<50xi32, #tpu.memory_space<vmem>>) semaphore(%arg7 : memref<!tpu.dma_semaphore, #tpu.memory_space<semaphore_mem>>)
    %mul3A_68 = arith.constant 0 : i32
    %mul3A_69 = arith.constant 8 : i32
    %mul3A_70 = arith.muli %mul3A_68, %mul3A_69 : i32
    %add3A_71 = arith.constant 4 : i32
    %add3A_72 = arith.addi %mul3A_70, %add3A_71 : i32
    %dma_start3A_73 = arith.constant 4 : i32
    %dma_start3A_74 = arith.constant 0 : i32
    %dma_start3A_75 = arith.constant 0 : i32
    %dma_start3A_76 = tpu.memref_slice %arg6[%rem3A_4, %dma_start3A_73, %dma_start3A_74, %dma_start3A_75] : memref<6x8x50x32xf32, #tpu.memory_space<vmem>> -> memref<1x1x50x32xf32, #tpu.memory_space<vmem>>
    %dma_start3A_77 = tpu.memref_squeeze %dma_start3A_76 : memref<1x1x50x32xf32, #tpu.memory_space<vmem>> -> memref<50x32xf32, #tpu.memory_space<vmem>>
    %dma_start3A_78 = arith.constant 0 : i32
    %dma_start3A_79 = tpu.memref_slice %arg5[%add3A_72, %dma_start3A_78] : memref<512x50xi32, #tpu.memory_space<vmem>> -> memref<1x50xi32, #tpu.memory_space<vmem>>
    %dma_start3A_80 = tpu.memref_squeeze %dma_start3A_79 : memref<1x50xi32, #tpu.memory_space<vmem>> -> memref<50xi32, #tpu.memory_space<vmem>>
    %dma_start3A_81 = arith.constant 0 : i32
    %dma_start3A_82 = arith.constant 0 : i32
    %dma_start3A_83 = tpu.memref_slice %arg2[%dma_start3A_81, %dma_start3A_82] : memref<1000000x32xf32, #tpu.memory_space<hbm>> -> memref<1000000x32xf32, #tpu.memory_space<hbm>>
    tpu.enqueue_indirect_dma source(%dma_start3A_83 : memref<1000000x32xf32, #tpu.memory_space<hbm>>) target(%dma_start3A_77 : memref<50x32xf32, #tpu.memory_space<vmem>>) offsets(%dma_start3A_80 : memref<50xi32, #tpu.memory_space<vmem>>) semaphore(%arg7 : memref<!tpu.dma_semaphore, #tpu.memory_space<semaphore_mem>>)
    %mul3A_84 = arith.constant 0 : i32
    %mul3A_85 = arith.constant 8 : i32
    %mul3A_86 = arith.muli %mul3A_84, %mul3A_85 : i32
    %add3A_87 = arith.constant 5 : i32
    %add3A_88 = arith.addi %mul3A_86, %add3A_87 : i32
    %dma_start3A_89 = arith.constant 5 : i32
    %dma_start3A_90 = arith.constant 0 : i32
    %dma_start3A_91 = arith.constant 0 : i32
    %dma_start3A_92 = tpu.memref_slice %arg6[%rem3A_4, %dma_start3A_89, %dma_start3A_90, %dma_start3A_91] : memref<6x8x50x32xf32, #tpu.memory_space<vmem>> -> memref<1x1x50x32xf32, #tpu.memory_space<vmem>>
    %dma_start3A_93 = tpu.memref_squeeze %dma_start3A_92 : memref<1x1x50x32xf32, #tpu.memory_space<vmem>> -> memref<50x32xf32, #tpu.memory_space<vmem>>
    %dma_start3A_94 = arith.constant 0 : i32
    %dma_start3A_95 = tpu.memref_slice %arg5[%add3A_88, %dma_start3A_94] : memref<512x50xi32, #tpu.memory_space<vmem>> -> memref<1x50xi32, #tpu.memory_space<vmem>>
    %dma_start3A_96 = tpu.memref_squeeze %dma_start3A_95 : memref<1x50xi32, #tpu.memory_space<vmem>> -> memref<50xi32, #tpu.memory_space<vmem>>
    %dma_start3A_97 = arith.constant 0 : i32
    %dma_start3A_98 = arith.constant 0 : i32
    %dma_start3A_99 = tpu.memref_slice %arg2[%dma_start3A_97, %dma_start3A_98] : memref<1000000x32xf32, #tpu.memory_space<hbm>> -> memref<1000000x32xf32, #tpu.memory_space<hbm>>
    tpu.enqueue_indirect_dma source(%dma_start3A_99 : memref<1000000x32xf32, #tpu.memory_space<hbm>>) target(%dma_start3A_93 : memref<50x32xf32, #tpu.memory_space<vmem>>) offsets(%dma_start3A_96 : memref<50xi32, #tpu.memory_space<vmem>>) semaphore(%arg7 : memref<!tpu.dma_semaphore, #tpu.memory_space<semaphore_mem>>)
    %mul3A_100 = arith.constant 0 : i32
    %mul3A_101 = arith.constant 8 : i32
    %mul3A_102 = arith.muli %mul3A_100, %mul3A_101 : i32
    %add3A_103 = arith.constant 6 : i32
    %add3A_104 = arith.addi %mul3A_102, %add3A_103 : i32
    %dma_start3A_105 = arith.constant 6 : i32
    %dma_start3A_106 = arith.constant 0 : i32
    %dma_start3A_107 = arith.constant 0 : i32
    %dma_start3A_108 = tpu.memref_slice %arg6[%rem3A_4, %dma_start3A_105, %dma_start3A_106, %dma_start3A_107] : memref<6x8x50x32xf32, #tpu.memory_space<vmem>> -> memref<1x1x50x32xf32, #tpu.memory_space<vmem>>
    %dma_start3A_109 = tpu.memref_squeeze %dma_start3A_108 : memref<1x1x50x32xf32, #tpu.memory_space<vmem>> -> memref<50x32xf32, #tpu.memory_space<vmem>>
    %dma_start3A_110 = arith.constant 0 : i32
    %dma_start3A_111 = tpu.memref_slice %arg5[%add3A_104, %dma_start3A_110] : memref<512x50xi32, #tpu.memory_space<vmem>> -> memref<1x50xi32, #tpu.memory_space<vmem>>
    %dma_start3A_112 = tpu.memref_squeeze %dma_start3A_111 : memref<1x50xi32, #tpu.memory_space<vmem>> -> memref<50xi32, #tpu.memory_space<vmem>>
    %dma_start3A_113 = arith.constant 0 : i32
    %dma_start3A_114 = arith.constant 0 : i32
    %dma_start3A_115 = tpu.memref_slice %arg2[%dma_start3A_113, %dma_start3A_114] : memref<1000000x32xf32, #tpu.memory_space<hbm>> -> memref<1000000x32xf32, #tpu.memory_space<hbm>>
    tpu.enqueue_indirect_dma source(%dma_start3A_115 : memref<1000000x32xf32, #tpu.memory_space<hbm>>) target(%dma_start3A_109 : memref<50x32xf32, #tpu.memory_space<vmem>>) offsets(%dma_start3A_112 : memref<50xi32, #tpu.memory_space<vmem>>) semaphore(%arg7 : memref<!tpu.dma_semaphore, #tpu.memory_space<semaphore_mem>>)
    %mul3A_116 = arith.constant 0 : i32
    %mul3A_117 = arith.constant 8 : i32
    %mul3A_118 = arith.muli %mul3A_116, %mul3A_117 : i32
    %add3A_119 = arith.constant 7 : i32
    %add3A_120 = arith.addi %mul3A_118, %add3A_119 : i32
    %dma_start3A_121 = arith.constant 7 : i32
    %dma_start3A_122 = arith.constant 0 : i32
    %dma_start3A_123 = arith.constant 0 : i32
    %dma_start3A_124 = tpu.memref_slice %arg6[%rem3A_4, %dma_start3A_121, %dma_start3A_122, %dma_start3A_123] : memref<6x8x50x32xf32, #tpu.memory_space<vmem>> -> memref<1x1x50x32xf32, #tpu.memory_space<vmem>>
    %dma_start3A_125 = tpu.memref_squeeze %dma_start3A_124 : memref<1x1x50x32xf32, #tpu.memory_space<vmem>> -> memref<50x32xf32, #tpu.memory_space<vmem>>
    %dma_start3A_126 = arith.constant 0 : i32
    %dma_start3A_127 = tpu.memref_slice %arg5[%add3A_120, %dma_start3A_126] : memref<512x50xi32, #tpu.memory_space<vmem>> -> memref<1x50xi32, #tpu.memory_space<vmem>>
    %dma_start3A_128 = tpu.memref_squeeze %dma_start3A_127 : memref<1x50xi32, #tpu.memory_space<vmem>> -> memref<50xi32, #tpu.memory_space<vmem>>
    %dma_start3A_129 = arith.constant 0 : i32
    %dma_start3A_130 = arith.constant 0 : i32
    %dma_start3A_131 = tpu.memref_slice %arg2[%dma_start3A_129, %dma_start3A_130] : memref<1000000x32xf32, #tpu.memory_space<hbm>> -> memref<1000000x32xf32, #tpu.memory_space<hbm>>
    tpu.enqueue_indirect_dma source(%dma_start3A_131 : memref<1000000x32xf32, #tpu.memory_space<hbm>>) target(%dma_start3A_125 : memref<50x32xf32, #tpu.memory_space<vmem>>) offsets(%dma_start3A_128 : memref<50xi32, #tpu.memory_space<vmem>>) semaphore(%arg7 : memref<!tpu.dma_semaphore, #tpu.memory_space<semaphore_mem>>)
    %rem3A_132 = arith.constant 1 : i32
    %rem3A_133 = arith.constant 6 : i32
    %rem3A_134 = arith.remsi %rem3A_132, %rem3A_133 : i32
    %mul3A_135 = arith.constant 1 : i32
    %mul3A_136 = arith.constant 8 : i32
    %mul3A_137 = arith.muli %mul3A_135, %mul3A_136 : i32
    %add3A_138 = arith.constant 0 : i32
    %add3A_139 = arith.addi %mul3A_137, %add3A_138 : i32
    %dma_start3A_140 = arith.constant 0 : i32
    %dma_start3A_141 = arith.constant 0 : i32
    %dma_start3A_142 = arith.constant 0 : i32
    %dma_start3A_143 = tpu.memref_slice %arg6[%rem3A_134, %dma_start3A_140, %dma_start3A_141, %dma_start3A_142] : memref<6x8x50x32xf32, #tpu.memory_space<vmem>> -> memref<1x1x50x32xf32, #tpu.memory_space<vmem>>
    %dma_start3A_144 = tpu.memref_squeeze %dma_start3A_143 : memref<1x1x50x32xf32, #tpu.memory_space<vmem>> -> memref<50x32xf32, #tpu.memory_space<vmem>>
    %dma_start3A_145 = arith.constant 0 : i32
    %dma_start3A_146 = tpu.memref_slice %arg5[%add3A_139, %dma_start3A_145] : memref<512x50xi32, #tpu.memory_space<vmem>> -> memref<1x50xi32, #tpu.memory_space<vmem>>
    %dma_start3A_147 = tpu.memref_squeeze %dma_start3A_146 : memref<1x50xi32, #tpu.memory_space<vmem>> -> memref<50xi32, #tpu.memory_space<vmem>>
    %dma_start3A_148 = arith.constant 0 : i32
    %dma_start3A_149 = arith.constant 0 : i32
    %dma_start3A_150 = tpu.memref_slice %arg2[%dma_start3A_148, %dma_start3A_149] : memref<1000000x32xf32, #tpu.memory_space<hbm>> -> memref<1000000x32xf32, #tpu.memory_space<hbm>>
    tpu.enqueue_indirect_dma source(%dma_start3A_150 : memref<1000000x32xf32, #tpu.memory_space<hbm>>) target(%dma_start3A_144 : memref<50x32xf32, #tpu.memory_space<vmem>>) offsets(%dma_start3A_147 : memref<50xi32, #tpu.memory_space<vmem>>) semaphore(%arg7 : memref<!tpu.dma_semaphore, #tpu.memory_space<semaphore_mem>>)
    %mul3A_151 = arith.constant 1 : i32
    %mul3A_152 = arith.constant 8 : i32
    %mul3A_153 = arith.muli %mul3A_151, %mul3A_152 : i32
    %add3A_154 = arith.constant 1 : i32
    %add3A_155 = arith.addi %mul3A_153, %add3A_154 : i32
    %dma_start3A_156 = arith.constant 1 : i32
    %dma_start3A_157 = arith.constant 0 : i32
    %dma_start3A_158 = arith.constant 0 : i32
    %dma_start3A_159 = tpu.memref_slice %arg6[%rem3A_134, %dma_start3A_156, %dma_start3A_157, %dma_start3A_158] : memref<6x8x50x32xf32, #tpu.memory_space<vmem>> -> memref<1x1x50x32xf32, #tpu.memory_space<vmem>>
    %dma_start3A_160 = tpu.memref_squeeze %dma_start3A_159 : memref<1x1x50x32xf32, #tpu.memory_space<vmem>> -> memref<50x32xf32, #tpu.memory_space<vmem>>
    %dma_start3A_161 = arith.constant 0 : i32
    %dma_start3A_162 = tpu.memref_slice %arg5[%add3A_155, %dma_start3A_161] : memref<512x50xi32, #tpu.memory_space<vmem>> -> memref<1x50xi32, #tpu.memory_space<vmem>>
    %dma_start3A_163 = tpu.memref_squeeze %dma_start3A_162 : memref<1x50xi32, #tpu.memory_space<vmem>> -> memref<50xi32, #tpu.memory_space<vmem>>
    %dma_start3A_164 = arith.constant 0 : i32
    %dma_start3A_165 = arith.constant 0 : i32
    %dma_start3A_166 = tpu.memref_slice %arg2[%dma_start3A_164, %dma_start3A_165] : memref<1000000x32xf32, #tpu.memory_space<hbm>> -> memref<1000000x32xf32, #tpu.memory_space<hbm>>
    tpu.enqueue_indirect_dma source(%dma_start3A_166 : memref<1000000x32xf32, #tpu.memory_space<hbm>>) target(%dma_start3A_160 : memref<50x32xf32, #tpu.memory_space<vmem>>) offsets(%dma_start3A_163 : memref<50xi32, #tpu.memory_space<vmem>>) semaphore(%arg7 : memref<!tpu.dma_semaphore, #tpu.memory_space<semaphore_mem>>)
    %mul3A_167 = arith.constant 1 : i32
    %mul3A_168 = arith.constant 8 : i32
    %mul3A_169 = arith.muli %mul3A_167, %mul3A_168 : i32
    %add3A_170 = arith.constant 2 : i32
    %add3A_171 = arith.addi %mul3A_169, %add3A_170 : i32
    %dma_start3A_172 = arith.constant 2 : i32
    %dma_start3A_173 = arith.constant 0 : i32
    %dma_start3A_174 = arith.constant 0 : i32
    %dma_start3A_175 = tpu.memref_slice %arg6[%rem3A_134, %dma_start3A_172, %dma_start3A_173, %dma_start3A_174] : memref<6x8x50x32xf32, #tpu.memory_space<vmem>> -> memref<1x1x50x32xf32, #tpu.memory_space<vmem>>
    %dma_start3A_176 = tpu.memref_squeeze %dma_start3A_175 : memref<1x1x50x32xf32, #tpu.memory_space<vmem>> -> memref<50x32xf32, #tpu.memory_space<vmem>>
    %dma_start3A_177 = arith.constant 0 : i32
    %dma_start3A_178 = tpu.memref_slice %arg5[%add3A_171, %dma_start3A_177] : memref<512x50xi32, #tpu.memory_space<vmem>> -> memref<1x50xi32, #tpu.memory_space<vmem>>
    %dma_start3A_179 = tpu.memref_squeeze %dma_start3A_178 : memref<1x50xi32, #tpu.memory_space<vmem>> -> memref<50xi32, #tpu.memory_space<vmem>>
    %dma_start3A_180 = arith.constant 0 : i32
    %dma_start3A_181 = arith.constant 0 : i32
    %dma_start3A_182 = tpu.memref_slice %arg2[%dma_start3A_180, %dma_start3A_181] : memref<1000000x32xf32, #tpu.memory_space<hbm>> -> memref<1000000x32xf32, #tpu.memory_space<hbm>>
    tpu.enqueue_indirect_dma source(%dma_start3A_182 : memref<1000000x32xf32, #tpu.memory_space<hbm>>) target(%dma_start3A_176 : memref<50x32xf32, #tpu.memory_space<vmem>>) offsets(%dma_start3A_179 : memref<50xi32, #tpu.memory_space<vmem>>) semaphore(%arg7 : memref<!tpu.dma_semaphore, #tpu.memory_space<semaphore_mem>>)
    %mul3A_183 = arith.constant 1 : i32
    %mul3A_184 = arith.constant 8 : i32
    %mul3A_185 = arith.muli %mul3A_183, %mul3A_184 : i32
    %add3A_186 = arith.constant 3 : i32
    %add3A_187 = arith.addi %mul3A_185, %add3A_186 : i32
    %dma_start3A_188 = arith.constant 3 : i32
    %dma_start3A_189 = arith.constant 0 : i32
    %dma_start3A_190 = arith.constant 0 : i32
    %dma_start3A_191 = tpu.memref_slice %arg6[%rem3A_134, %dma_start3A_188, %dma_start3A_189, %dma_start3A_190] : memref<6x8x50x32xf32, #tpu.memory_space<vmem>> -> memref<1x1x50x32xf32, #tpu.memory_space<vmem>>
    %dma_start3A_192 = tpu.memref_squeeze %dma_start3A_191 : memref<1x1x50x32xf32, #tpu.memory_space<vmem>> -> memref<50x32xf32, #tpu.memory_space<vmem>>
    %dma_start3A_193 = arith.constant 0 : i32
    %dma_start3A_194 = tpu.memref_slice %arg5[%add3A_187, %dma_start3A_193] : memref<512x50xi32, #tpu.memory_space<vmem>> -> memref<1x50xi32, #tpu.memory_space<vmem>>
    %dma_start3A_195 = tpu.memref_squeeze %dma_start3A_194 : memref<1x50xi32, #tpu.memory_space<vmem>> -> memref<50xi32, #tpu.memory_space<vmem>>
    %dma_start3A_196 = arith.constant 0 : i32
    %dma_start3A_197 = arith.constant 0 : i32
    %dma_start3A_198 = tpu.memref_slice %arg2[%dma_start3A_196, %dma_start3A_197] : memref<1000000x32xf32, #tpu.memory_space<hbm>> -> memref<1000000x32xf32, #tpu.memory_space<hbm>>
    tpu.enqueue_indirect_dma source(%dma_start3A_198 : memref<1000000x32xf32, #tpu.memory_space<hbm>>) target(%dma_start3A_192 : memref<50x32xf32, #tpu.memory_space<vmem>>) offsets(%dma_start3A_195 : memref<50xi32, #tpu.memory_space<vmem>>) semaphore(%arg7 : memref<!tpu.dma_semaphore, #tpu.memory_space<semaphore_mem>>)
    %mul3A_199 = arith.constant 1 : i32
    %mul3A_200 = arith.constant 8 : i32
    %mul3A_201 = arith.muli %mul3A_199, %mul3A_200 : i32
    %add3A_202 = arith.constant 4 : i32
    %add3A_203 = arith.addi %mul3A_201, %add3A_202 : i32
    %dma_start3A_204 = arith.constant 4 : i32
    %dma_start3A_205 = arith.constant 0 : i32
    %dma_start3A_206 = arith.constant 0 : i32
    %dma_start3A_207 = tpu.memref_slice %arg6[%rem3A_134, %dma_start3A_204, %dma_start3A_205, %dma_start3A_206] : memref<6x8x50x32xf32, #tpu.memory_space<vmem>> -> memref<1x1x50x32xf32, #tpu.memory_space<vmem>>
    %dma_start3A_208 = tpu.memref_squeeze %dma_start3A_207 : memref<1x1x50x32xf32, #tpu.memory_space<vmem>> -> memref<50x32xf32, #tpu.memory_space<vmem>>
    %dma_start3A_209 = arith.constant 0 : i32
    %dma_start3A_210 = tpu.memref_slice %arg5[%add3A_203, %dma_start3A_209] : memref<512x50xi32, #tpu.memory_space<vmem>> -> memref<1x50xi32, #tpu.memory_space<vmem>>
    %dma_start3A_211 = tpu.memref_squeeze %dma_start3A_210 : memref<1x50xi32, #tpu.memory_space<vmem>> -> memref<50xi32, #tpu.memory_space<vmem>>
    %dma_start3A_212 = arith.constant 0 : i32
    %dma_start3A_213 = arith.constant 0 : i32
    %dma_start3A_214 = tpu.memref_slice %arg2[%dma_start3A_212, %dma_start3A_213] : memref<1000000x32xf32, #tpu.memory_space<hbm>> -> memref<1000000x32xf32, #tpu.memory_space<hbm>>
    tpu.enqueue_indirect_dma source(%dma_start3A_214 : memref<1000000x32xf32, #tpu.memory_space<hbm>>) target(%dma_start3A_208 : memref<50x32xf32, #tpu.memory_space<vmem>>) offsets(%dma_start3A_211 : memref<50xi32, #tpu.memory_space<vmem>>) semaphore(%arg7 : memref<!tpu.dma_semaphore, #tpu.memory_space<semaphore_mem>>)
    %mul3A_215 = arith.constant 1 : i32
    %mul3A_216 = arith.constant 8 : i32
    %mul3A_217 = arith.muli %mul3A_215, %mul3A_216 : i32
    %add3A_218 = arith.constant 5 : i32
    %add3A_219 = arith.addi %mul3A_217, %add3A_218 : i32
    %dma_start3A_220 = arith.constant 5 : i32
    %dma_start3A_221 = arith.constant 0 : i32
    %dma_start3A_222 = arith.constant 0 : i32
    %dma_start3A_223 = tpu.memref_slice %arg6[%rem3A_134, %dma_start3A_220, %dma_start3A_221, %dma_start3A_222] : memref<6x8x50x32xf32, #tpu.memory_space<vmem>> -> memref<1x1x50x32xf32, #tpu.memory_space<vmem>>
    %dma_start3A_224 = tpu.memref_squeeze %dma_start3A_223 : memref<1x1x50x32xf32, #tpu.memory_space<vmem>> -> memref<50x32xf32, #tpu.memory_space<vmem>>
    %dma_start3A_225 = arith.constant 0 : i32
    %dma_start3A_226 = tpu.memref_slice %arg5[%add3A_219, %dma_start3A_225] : memref<512x50xi32, #tpu.memory_space<vmem>> -> memref<1x50xi32, #tpu.memory_space<vmem>>
    %dma_start3A_227 = tpu.memref_squeeze %dma_start3A_226 : memref<1x50xi32, #tpu.memory_space<vmem>> -> memref<50xi32, #tpu.memory_space<vmem>>
    %dma_start3A_228 = arith.constant 0 : i32
    %dma_start3A_229 = arith.constant 0 : i32
    %dma_start3A_230 = tpu.memref_slice %arg2[%dma_start3A_228, %dma_start3A_229] : memref<1000000x32xf32, #tpu.memory_space<hbm>> -> memref<1000000x32xf32, #tpu.memory_space<hbm>>
    tpu.enqueue_indirect_dma source(%dma_start3A_230 : memref<1000000x32xf32, #tpu.memory_space<hbm>>) target(%dma_start3A_224 : memref<50x32xf32, #tpu.memory_space<vmem>>) offsets(%dma_start3A_227 : memref<50xi32, #tpu.memory_space<vmem>>) semaphore(%arg7 : memref<!tpu.dma_semaphore, #tpu.memory_space<semaphore_mem>>)
    %mul3A_231 = arith.constant 1 : i32
    %mul3A_232 = arith.constant 8 : i32
    %mul3A_233 = arith.muli %mul3A_231, %mul3A_232 : i32
    %add3A_234 = arith.constant 6 : i32
    %add3A_235 = arith.addi %mul3A_233, %add3A_234 : i32
    %dma_start3A_236 = arith.constant 6 : i32
    %dma_start3A_237 = arith.constant 0 : i32
    %dma_start3A_238 = arith.constant 0 : i32
    %dma_start3A_239 = tpu.memref_slice %arg6[%rem3A_134, %dma_start3A_236, %dma_start3A_237, %dma_start3A_238] : memref<6x8x50x32xf32, #tpu.memory_space<vmem>> -> memref<1x1x50x32xf32, #tpu.memory_space<vmem>>
    %dma_start3A_240 = tpu.memref_squeeze %dma_start3A_239 : memref<1x1x50x32xf32, #tpu.memory_space<vmem>> -> memref<50x32xf32, #tpu.memory_space<vmem>>
    %dma_start3A_241 = arith.constant 0 : i32
    %dma_start3A_242 = tpu.memref_slice %arg5[%add3A_235, %dma_start3A_241] : memref<512x50xi32, #tpu.memory_space<vmem>> -> memref<1x50xi32, #tpu.memory_space<vmem>>
    %dma_start3A_243 = tpu.memref_squeeze %dma_start3A_242 : memref<1x50xi32, #tpu.memory_space<vmem>> -> memref<50xi32, #tpu.memory_space<vmem>>
    %dma_start3A_244 = arith.constant 0 : i32
    %dma_start3A_245 = arith.constant 0 : i32
    %dma_start3A_246 = tpu.memref_slice %arg2[%dma_start3A_244, %dma_start3A_245] : memref<1000000x32xf32, #tpu.memory_space<hbm>> -> memref<1000000x32xf32, #tpu.memory_space<hbm>>
    tpu.enqueue_indirect_dma source(%dma_start3A_246 : memref<1000000x32xf32, #tpu.memory_space<hbm>>) target(%dma_start3A_240 : memref<50x32xf32, #tpu.memory_space<vmem>>) offsets(%dma_start3A_243 : memref<50xi32, #tpu.memory_space<vmem>>) semaphore(%arg7 : memref<!tpu.dma_semaphore, #tpu.memory_space<semaphore_mem>>)
    %mul3A_247 = arith.constant 1 : i32
    %mul3A_248 = arith.constant 8 : i32
    %mul3A_249 = arith.muli %mul3A_247, %mul3A_248 : i32
    %add3A_250 = arith.constant 7 : i32
    %add3A_251 = arith.addi %mul3A_249, %add3A_250 : i32
    %dma_start3A_252 = arith.constant 7 : i32
    %dma_start3A_253 = arith.constant 0 : i32
    %dma_start3A_254 = arith.constant 0 : i32
    %dma_start3A_255 = tpu.memref_slice %arg6[%rem3A_134, %dma_start3A_252, %dma_start3A_253, %dma_start3A_254] : memref<6x8x50x32xf32, #tpu.memory_space<vmem>> -> memref<1x1x50x32xf32, #tpu.memory_space<vmem>>
    %dma_start3A_256 = tpu.memref_squeeze %dma_start3A_255 : memref<1x1x50x32xf32, #tpu.memory_space<vmem>> -> memref<50x32xf32, #tpu.memory_space<vmem>>
    %dma_start3A_257 = arith.constant 0 : i32
    %dma_start3A_258 = tpu.memref_slice %arg5[%add3A_251, %dma_start3A_257] : memref<512x50xi32, #tpu.memory_space<vmem>> -> memref<1x50xi32, #tpu.memory_space<vmem>>
    %dma_start3A_259 = tpu.memref_squeeze %dma_start3A_258 : memref<1x50xi32, #tpu.memory_space<vmem>> -> memref<50xi32, #tpu.memory_space<vmem>>
    %dma_start3A_260 = arith.constant 0 : i32
    %dma_start3A_261 = arith.constant 0 : i32
    %dma_start3A_262 = tpu.memref_slice %arg2[%dma_start3A_260, %dma_start3A_261] : memref<1000000x32xf32, #tpu.memory_space<hbm>> -> memref<1000000x32xf32, #tpu.memory_space<hbm>>
    tpu.enqueue_indirect_dma source(%dma_start3A_262 : memref<1000000x32xf32, #tpu.memory_space<hbm>>) target(%dma_start3A_256 : memref<50x32xf32, #tpu.memory_space<vmem>>) offsets(%dma_start3A_259 : memref<50xi32, #tpu.memory_space<vmem>>) semaphore(%arg7 : memref<!tpu.dma_semaphore, #tpu.memory_space<semaphore_mem>>)
    %rem3A_263 = arith.constant 2 : i32
    %rem3A_264 = arith.constant 6 : i32
    %rem3A_265 = arith.remsi %rem3A_263, %rem3A_264 : i32
    %mul3A_266 = arith.constant 2 : i32
    %mul3A_267 = arith.constant 8 : i32
    %mul3A_268 = arith.muli %mul3A_266, %mul3A_267 : i32
    %add3A_269 = arith.constant 0 : i32
    %add3A_270 = arith.addi %mul3A_268, %add3A_269 : i32
    %dma_start3A_271 = arith.constant 0 : i32
    %dma_start3A_272 = arith.constant 0 : i32
    %dma_start3A_273 = arith.constant 0 : i32
    %dma_start3A_274 = tpu.memref_slice %arg6[%rem3A_265, %dma_start3A_271, %dma_start3A_272, %dma_start3A_273] : memref<6x8x50x32xf32, #tpu.memory_space<vmem>> -> memref<1x1x50x32xf32, #tpu.memory_space<vmem>>
    %dma_start3A_275 = tpu.memref_squeeze %dma_start3A_274 : memref<1x1x50x32xf32, #tpu.memory_space<vmem>> -> memref<50x32xf32, #tpu.memory_space<vmem>>
    %dma_start3A_276 = arith.constant 0 : i32
    %dma_start3A_277 = tpu.memref_slice %arg5[%add3A_270, %dma_start3A_276] : memref<512x50xi32, #tpu.memory_space<vmem>> -> memref<1x50xi32, #tpu.memory_space<vmem>>
    %dma_start3A_278 = tpu.memref_squeeze %dma_start3A_277 : memref<1x50xi32, #tpu.memory_space<vmem>> -> memref<50xi32, #tpu.memory_space<vmem>>
    %dma_start3A_279 = arith.constant 0 : i32
    %dma_start3A_280 = arith.constant 0 : i32
    %dma_start3A_281 = tpu.memref_slice %arg2[%dma_start3A_279, %dma_start3A_280] : memref<1000000x32xf32, #tpu.memory_space<hbm>> -> memref<1000000x32xf32, #tpu.memory_space<hbm>>
    tpu.enqueue_indirect_dma source(%dma_start3A_281 : memref<1000000x32xf32, #tpu.memory_space<hbm>>) target(%dma_start3A_275 : memref<50x32xf32, #tpu.memory_space<vmem>>) offsets(%dma_start3A_278 : memref<50xi32, #tpu.memory_space<vmem>>) semaphore(%arg7 : memref<!tpu.dma_semaphore, #tpu.memory_space<semaphore_mem>>)
    %mul3A_282 = arith.constant 2 : i32
    %mul3A_283 = arith.constant 8 : i32
    %mul3A_284 = arith.muli %mul3A_282, %mul3A_283 : i32
    %add3A_285 = arith.constant 1 : i32
    %add3A_286 = arith.addi %mul3A_284, %add3A_285 : i32
    %dma_start3A_287 = arith.constant 1 : i32
    %dma_start3A_288 = arith.constant 0 : i32
    %dma_start3A_289 = arith.constant 0 : i32
    %dma_start3A_290 = tpu.memref_slice %arg6[%rem3A_265, %dma_start3A_287, %dma_start3A_288, %dma_start3A_289] : memref<6x8x50x32xf32, #tpu.memory_space<vmem>> -> memref<1x1x50x32xf32, #tpu.memory_space<vmem>>
    %dma_start3A_291 = tpu.memref_squeeze %dma_start3A_290 : memref<1x1x50x32xf32, #tpu.memory_space<vmem>> -> memref<50x32xf32, #tpu.memory_space<vmem>>
    %dma_start3A_292 = arith.constant 0 : i32
    %dma_start3A_293 = tpu.memref_slice %arg5[%add3A_286, %dma_start3A_292] : memref<512x50xi32, #tpu.memory_space<vmem>> -> memref<1x50xi32, #tpu.memory_space<vmem>>
    %dma_start3A_294 = tpu.memref_squeeze %dma_start3A_293 : memref<1x50xi32, #tpu.memory_space<vmem>> -> memref<50xi32, #tpu.memory_space<vmem>>
    %dma_start3A_295 = arith.constant 0 : i32
    %dma_start3A_296 = arith.constant 0 : i32
    %dma_start3A_297 = tpu.memref_slice %arg2[%dma_start3A_295, %dma_start3A_296] : memref<1000000x32xf32, #tpu.memory_space<hbm>> -> memref<1000000x32xf32, #tpu.memory_space<hbm>>
    tpu.enqueue_indirect_dma source(%dma_start3A_297 : memref<1000000x32xf32, #tpu.memory_space<hbm>>) target(%dma_start3A_291 : memref<50x32xf32, #tpu.memory_space<vmem>>) offsets(%dma_start3A_294 : memref<50xi32, #tpu.memory_space<vmem>>) semaphore(%arg7 : memref<!tpu.dma_semaphore, #tpu.memory_space<semaphore_mem>>)
    %mul3A_298 = arith.constant 2 : i32
    %mul3A_299 = arith.constant 8 : i32
    %mul3A_300 = arith.muli %mul3A_298, %mul3A_299 : i32
    %add3A_301 = arith.constant 2 : i32
    %add3A_302 = arith.addi %mul3A_300, %add3A_301 : i32
    %dma_start3A_303 = arith.constant 2 : i32
    %dma_start3A_304 = arith.constant 0 : i32
    %dma_start3A_305 = arith.constant 0 : i32
    %dma_start3A_306 = tpu.memref_slice %arg6[%rem3A_265, %dma_start3A_303, %dma_start3A_304, %dma_start3A_305] : memref<6x8x50x32xf32, #tpu.memory_space<vmem>> -> memref<1x1x50x32xf32, #tpu.memory_space<vmem>>
    %dma_start3A_307 = tpu.memref_squeeze %dma_start3A_306 : memref<1x1x50x32xf32, #tpu.memory_space<vmem>> -> memref<50x32xf32, #tpu.memory_space<vmem>>
    %dma_start3A_308 = arith.constant 0 : i32
    %dma_start3A_309 = tpu.memref_slice %arg5[%add3A_302, %dma_start3A_308] : memref<512x50xi32, #tpu.memory_space<vmem>> -> memref<1x50xi32, #tpu.memory_space<vmem>>
    %dma_start3A_310 = tpu.memref_squeeze %dma_start3A_309 : memref<1x50xi32, #tpu.memory_space<vmem>> -> memref<50xi32, #tpu.memory_space<vmem>>
    %dma_start3A_311 = arith.constant 0 : i32
    %dma_start3A_312 = arith.constant 0 : i32
    %dma_start3A_313 = tpu.memref_slice %arg2[%dma_start3A_311, %dma_start3A_312] : memref<1000000x32xf32, #tpu.memory_space<hbm>> -> memref<1000000x32xf32, #tpu.memory_space<hbm>>
    tpu.enqueue_indirect_dma source(%dma_start3A_313 : memref<1000000x32xf32, #tpu.memory_space<hbm>>) target(%dma_start3A_307 : memref<50x32xf32, #tpu.memory_space<vmem>>) offsets(%dma_start3A_310 : memref<50xi32, #tpu.memory_space<vmem>>) semaphore(%arg7 : memref<!tpu.dma_semaphore, #tpu.memory_space<semaphore_mem>>)
    %mul3A_314 = arith.constant 2 : i32
    %mul3A_315 = arith.constant 8 : i32
    %mul3A_316 = arith.muli %mul3A_314, %mul3A_315 : i32
    %add3A_317 = arith.constant 3 : i32
    %add3A_318 = arith.addi %mul3A_316, %add3A_317 : i32
    %dma_start3A_319 = arith.constant 3 : i32
    %dma_start3A_320 = arith.constant 0 : i32
    %dma_start3A_321 = arith.constant 0 : i32
    %dma_start3A_322 = tpu.memref_slice %arg6[%rem3A_265, %dma_start3A_319, %dma_start3A_320, %dma_start3A_321] : memref<6x8x50x32xf32, #tpu.memory_space<vmem>> -> memref<1x1x50x32xf32, #tpu.memory_space<vmem>>
    %dma_start3A_323 = tpu.memref_squeeze %dma_start3A_322 : memref<1x1x50x32xf32, #tpu.memory_space<vmem>> -> memref<50x32xf32, #tpu.memory_space<vmem>>
    %dma_start3A_324 = arith.constant 0 : i32
    %dma_start3A_325 = tpu.memref_slice %arg5[%add3A_318, %dma_start3A_324] : memref<512x50xi32, #tpu.memory_space<vmem>> -> memref<1x50xi32, #tpu.memory_space<vmem>>
    %dma_start3A_326 = tpu.memref_squeeze %dma_start3A_325 : memref<1x50xi32, #tpu.memory_space<vmem>> -> memref<50xi32, #tpu.memory_space<vmem>>
    %dma_start3A_327 = arith.constant 0 : i32
    %dma_start3A_328 = arith.constant 0 : i32
    %dma_start3A_329 = tpu.memref_slice %arg2[%dma_start3A_327, %dma_start3A_328] : memref<1000000x32xf32, #tpu.memory_space<hbm>> -> memref<1000000x32xf32, #tpu.memory_space<hbm>>
    tpu.enqueue_indirect_dma source(%dma_start3A_329 : memref<1000000x32xf32, #tpu.memory_space<hbm>>) target(%dma_start3A_323 : memref<50x32xf32, #tpu.memory_space<vmem>>) offsets(%dma_start3A_326 : memref<50xi32, #tpu.memory_space<vmem>>) semaphore(%arg7 : memref<!tpu.dma_semaphore, #tpu.memory_space<semaphore_mem>>)
    %mul3A_330 = arith.constant 2 : i32
    %mul3A_331 = arith.constant 8 : i32
    %mul3A_332 = arith.muli %mul3A_330, %mul3A_331 : i32
    %add3A_333 = arith.constant 4 : i32
    %add3A_334 = arith.addi %mul3A_332, %add3A_333 : i32
    %dma_start3A_335 = arith.constant 4 : i32
    %dma_start3A_336 = arith.constant 0 : i32
    %dma_start3A_337 = arith.constant 0 : i32
    %dma_start3A_338 = tpu.memref_slice %arg6[%rem3A_265, %dma_start3A_335, %dma_start3A_336, %dma_start3A_337] : memref<6x8x50x32xf32, #tpu.memory_space<vmem>> -> memref<1x1x50x32xf32, #tpu.memory_space<vmem>>
    %dma_start3A_339 = tpu.memref_squeeze %dma_start3A_338 : memref<1x1x50x32xf32, #tpu.memory_space<vmem>> -> memref<50x32xf32, #tpu.memory_space<vmem>>
    %dma_start3A_340 = arith.constant 0 : i32
    %dma_start3A_341 = tpu.memref_slice %arg5[%add3A_334, %dma_start3A_340] : memref<512x50xi32, #tpu.memory_space<vmem>> -> memref<1x50xi32, #tpu.memory_space<vmem>>
    %dma_start3A_342 = tpu.memref_squeeze %dma_start3A_341 : memref<1x50xi32, #tpu.memory_space<vmem>> -> memref<50xi32, #tpu.memory_space<vmem>>
    %dma_start3A_343 = arith.constant 0 : i32
    %dma_start3A_344 = arith.constant 0 : i32
    %dma_start3A_345 = tpu.memref_slice %arg2[%dma_start3A_343, %dma_start3A_344] : memref<1000000x32xf32, #tpu.memory_space<hbm>> -> memref<1000000x32xf32, #tpu.memory_space<hbm>>
    tpu.enqueue_indirect_dma source(%dma_start3A_345 : memref<1000000x32xf32, #tpu.memory_space<hbm>>) target(%dma_start3A_339 : memref<50x32xf32, #tpu.memory_space<vmem>>) offsets(%dma_start3A_342 : memref<50xi32, #tpu.memory_space<vmem>>) semaphore(%arg7 : memref<!tpu.dma_semaphore, #tpu.memory_space<semaphore_mem>>)
    %mul3A_346 = arith.constant 2 : i32
    %mul3A_347 = arith.constant 8 : i32
    %mul3A_348 = arith.muli %mul3A_346, %mul3A_347 : i32
    %add3A_349 = arith.constant 5 : i32
    %add3A_350 = arith.addi %mul3A_348, %add3A_349 : i32
    %dma_start3A_351 = arith.constant 5 : i32
    %dma_start3A_352 = arith.constant 0 : i32
    %dma_start3A_353 = arith.constant 0 : i32
    %dma_start3A_354 = tpu.memref_slice %arg6[%rem3A_265, %dma_start3A_351, %dma_start3A_352, %dma_start3A_353] : memref<6x8x50x32xf32, #tpu.memory_space<vmem>> -> memref<1x1x50x32xf32, #tpu.memory_space<vmem>>
    %dma_start3A_355 = tpu.memref_squeeze %dma_start3A_354 : memref<1x1x50x32xf32, #tpu.memory_space<vmem>> -> memref<50x32xf32, #tpu.memory_space<vmem>>
    %dma_start3A_356 = arith.constant 0 : i32
    %dma_start3A_357 = tpu.memref_slice %arg5[%add3A_350, %dma_start3A_356] : memref<512x50xi32, #tpu.memory_space<vmem>> -> memref<1x50xi32, #tpu.memory_space<vmem>>
    %dma_start3A_358 = tpu.memref_squeeze %dma_start3A_357 : memref<1x50xi32, #tpu.memory_space<vmem>> -> memref<50xi32, #tpu.memory_space<vmem>>
    %dma_start3A_359 = arith.constant 0 : i32
    %dma_start3A_360 = arith.constant 0 : i32
    %dma_start3A_361 = tpu.memref_slice %arg2[%dma_start3A_359, %dma_start3A_360] : memref<1000000x32xf32, #tpu.memory_space<hbm>> -> memref<1000000x32xf32, #tpu.memory_space<hbm>>
    tpu.enqueue_indirect_dma source(%dma_start3A_361 : memref<1000000x32xf32, #tpu.memory_space<hbm>>) target(%dma_start3A_355 : memref<50x32xf32, #tpu.memory_space<vmem>>) offsets(%dma_start3A_358 : memref<50xi32, #tpu.memory_space<vmem>>) semaphore(%arg7 : memref<!tpu.dma_semaphore, #tpu.memory_space<semaphore_mem>>)
    %mul3A_362 = arith.constant 2 : i32
    %mul3A_363 = arith.constant 8 : i32
    %mul3A_364 = arith.muli %mul3A_362, %mul3A_363 : i32
    %add3A_365 = arith.constant 6 : i32
    %add3A_366 = arith.addi %mul3A_364, %add3A_365 : i32
    %dma_start3A_367 = arith.constant 6 : i32
    %dma_start3A_368 = arith.constant 0 : i32
    %dma_start3A_369 = arith.constant 0 : i32
    %dma_start3A_370 = tpu.memref_slice %arg6[%rem3A_265, %dma_start3A_367, %dma_start3A_368, %dma_start3A_369] : memref<6x8x50x32xf32, #tpu.memory_space<vmem>> -> memref<1x1x50x32xf32, #tpu.memory_space<vmem>>
    %dma_start3A_371 = tpu.memref_squeeze %dma_start3A_370 : memref<1x1x50x32xf32, #tpu.memory_space<vmem>> -> memref<50x32xf32, #tpu.memory_space<vmem>>
    %dma_start3A_372 = arith.constant 0 : i32
    %dma_start3A_373 = tpu.memref_slice %arg5[%add3A_366, %dma_start3A_372] : memref<512x50xi32, #tpu.memory_space<vmem>> -> memref<1x50xi32, #tpu.memory_space<vmem>>
    %dma_start3A_374 = tpu.memref_squeeze %dma_start3A_373 : memref<1x50xi32, #tpu.memory_space<vmem>> -> memref<50xi32, #tpu.memory_space<vmem>>
    %dma_start3A_375 = arith.constant 0 : i32
    %dma_start3A_376 = arith.constant 0 : i32
    %dma_start3A_377 = tpu.memref_slice %arg2[%dma_start3A_375, %dma_start3A_376] : memref<1000000x32xf32, #tpu.memory_space<hbm>> -> memref<1000000x32xf32, #tpu.memory_space<hbm>>
    tpu.enqueue_indirect_dma source(%dma_start3A_377 : memref<1000000x32xf32, #tpu.memory_space<hbm>>) target(%dma_start3A_371 : memref<50x32xf32, #tpu.memory_space<vmem>>) offsets(%dma_start3A_374 : memref<50xi32, #tpu.memory_space<vmem>>) semaphore(%arg7 : memref<!tpu.dma_semaphore, #tpu.memory_space<semaphore_mem>>)
    %mul3A_378 = arith.constant 2 : i32
    %mul3A_379 = arith.constant 8 : i32
    %mul3A_380 = arith.muli %mul3A_378, %mul3A_379 : i32
    %add3A_381 = arith.constant 7 : i32
    %add3A_382 = arith.addi %mul3A_380, %add3A_381 : i32
    %dma_start3A_383 = arith.constant 7 : i32
    %dma_start3A_384 = arith.constant 0 : i32
    %dma_start3A_385 = arith.constant 0 : i32
    %dma_start3A_386 = tpu.memref_slice %arg6[%rem3A_265, %dma_start3A_383, %dma_start3A_384, %dma_start3A_385] : memref<6x8x50x32xf32, #tpu.memory_space<vmem>> -> memref<1x1x50x32xf32, #tpu.memory_space<vmem>>
    %dma_start3A_387 = tpu.memref_squeeze %dma_start3A_386 : memref<1x1x50x32xf32, #tpu.memory_space<vmem>> -> memref<50x32xf32, #tpu.memory_space<vmem>>
    %dma_start3A_388 = arith.constant 0 : i32
    %dma_start3A_389 = tpu.memref_slice %arg5[%add3A_382, %dma_start3A_388] : memref<512x50xi32, #tpu.memory_space<vmem>> -> memref<1x50xi32, #tpu.memory_space<vmem>>
    %dma_start3A_390 = tpu.memref_squeeze %dma_start3A_389 : memref<1x50xi32, #tpu.memory_space<vmem>> -> memref<50xi32, #tpu.memory_space<vmem>>
    %dma_start3A_391 = arith.constant 0 : i32
    %dma_start3A_392 = arith.constant 0 : i32
    %dma_start3A_393 = tpu.memref_slice %arg2[%dma_start3A_391, %dma_start3A_392] : memref<1000000x32xf32, #tpu.memory_space<hbm>> -> memref<1000000x32xf32, #tpu.memory_space<hbm>>
    tpu.enqueue_indirect_dma source(%dma_start3A_393 : memref<1000000x32xf32, #tpu.memory_space<hbm>>) target(%dma_start3A_387 : memref<50x32xf32, #tpu.memory_space<vmem>>) offsets(%dma_start3A_390 : memref<50xi32, #tpu.memory_space<vmem>>) semaphore(%arg7 : memref<!tpu.dma_semaphore, #tpu.memory_space<semaphore_mem>>)
    %rem3A_394 = arith.constant 3 : i32
    %rem3A_395 = arith.constant 6 : i32
    %rem3A_396 = arith.remsi %rem3A_394, %rem3A_395 : i32
    %mul3A_397 = arith.constant 3 : i32
    %mul3A_398 = arith.constant 8 : i32
    %mul3A_399 = arith.muli %mul3A_397, %mul3A_398 : i32
    %add3A_400 = arith.constant 0 : i32
    %add3A_401 = arith.addi %mul3A_399, %add3A_400 : i32
    %dma_start3A_402 = arith.constant 0 : i32
    %dma_start3A_403 = arith.constant 0 : i32
    %dma_start3A_404 = arith.constant 0 : i32
    %dma_start3A_405 = tpu.memref_slice %arg6[%rem3A_396, %dma_start3A_402, %dma_start3A_403, %dma_start3A_404] : memref<6x8x50x32xf32, #tpu.memory_space<vmem>> -> memref<1x1x50x32xf32, #tpu.memory_space<vmem>>
    %dma_start3A_406 = tpu.memref_squeeze %dma_start3A_405 : memref<1x1x50x32xf32, #tpu.memory_space<vmem>> -> memref<50x32xf32, #tpu.memory_space<vmem>>
    %dma_start3A_407 = arith.constant 0 : i32
    %dma_start3A_408 = tpu.memref_slice %arg5[%add3A_401, %dma_start3A_407] : memref<512x50xi32, #tpu.memory_space<vmem>> -> memref<1x50xi32, #tpu.memory_space<vmem>>
    %dma_start3A_409 = tpu.memref_squeeze %dma_start3A_408 : memref<1x50xi32, #tpu.memory_space<vmem>> -> memref<50xi32, #tpu.memory_space<vmem>>
    %dma_start3A_410 = arith.constant 0 : i32
    %dma_start3A_411 = arith.constant 0 : i32
    %dma_start3A_412 = tpu.memref_slice %arg2[%dma_start3A_410, %dma_start3A_411] : memref<1000000x32xf32, #tpu.memory_space<hbm>> -> memref<1000000x32xf32, #tpu.memory_space<hbm>>
    tpu.enqueue_indirect_dma source(%dma_start3A_412 : memref<1000000x32xf32, #tpu.memory_space<hbm>>) target(%dma_start3A_406 : memref<50x32xf32, #tpu.memory_space<vmem>>) offsets(%dma_start3A_409 : memref<50xi32, #tpu.memory_space<vmem>>) semaphore(%arg7 : memref<!tpu.dma_semaphore, #tpu.memory_space<semaphore_mem>>)
    %mul3A_413 = arith.constant 3 : i32
    %mul3A_414 = arith.constant 8 : i32
    %mul3A_415 = arith.muli %mul3A_413, %mul3A_414 : i32
    %add3A_416 = arith.constant 1 : i32
    %add3A_417 = arith.addi %mul3A_415, %add3A_416 : i32
    %dma_start3A_418 = arith.constant 1 : i32
    %dma_start3A_419 = arith.constant 0 : i32
    %dma_start3A_420 = arith.constant 0 : i32
    %dma_start3A_421 = tpu.memref_slice %arg6[%rem3A_396, %dma_start3A_418, %dma_start3A_419, %dma_start3A_420] : memref<6x8x50x32xf32, #tpu.memory_space<vmem>> -> memref<1x1x50x32xf32, #tpu.memory_space<vmem>>
    %dma_start3A_422 = tpu.memref_squeeze %dma_start3A_421 : memref<1x1x50x32xf32, #tpu.memory_space<vmem>> -> memref<50x32xf32, #tpu.memory_space<vmem>>
    %dma_start3A_423 = arith.constant 0 : i32
    %dma_start3A_424 = tpu.memref_slice %arg5[%add3A_417, %dma_start3A_423] : memref<512x50xi32, #tpu.memory_space<vmem>> -> memref<1x50xi32, #tpu.memory_space<vmem>>
    %dma_start3A_425 = tpu.memref_squeeze %dma_start3A_424 : memref<1x50xi32, #tpu.memory_space<vmem>> -> memref<50xi32, #tpu.memory_space<vmem>>
    %dma_start3A_426 = arith.constant 0 : i32
    %dma_start3A_427 = arith.constant 0 : i32
    %dma_start3A_428 = tpu.memref_slice %arg2[%dma_start3A_426, %dma_start3A_427] : memref<1000000x32xf32, #tpu.memory_space<hbm>> -> memref<1000000x32xf32, #tpu.memory_space<hbm>>
    tpu.enqueue_indirect_dma source(%dma_start3A_428 : memref<1000000x32xf32, #tpu.memory_space<hbm>>) target(%dma_start3A_422 : memref<50x32xf32, #tpu.memory_space<vmem>>) offsets(%dma_start3A_425 : memref<50xi32, #tpu.memory_space<vmem>>) semaphore(%arg7 : memref<!tpu.dma_semaphore, #tpu.memory_space<semaphore_mem>>)
    %mul3A_429 = arith.constant 3 : i32
    %mul3A_430 = arith.constant 8 : i32
    %mul3A_431 = arith.muli %mul3A_429, %mul3A_430 : i32
    %add3A_432 = arith.constant 2 : i32
    %add3A_433 = arith.addi %mul3A_431, %add3A_432 : i32
    %dma_start3A_434 = arith.constant 2 : i32
    %dma_start3A_435 = arith.constant 0 : i32
    %dma_start3A_436 = arith.constant 0 : i32
    %dma_start3A_437 = tpu.memref_slice %arg6[%rem3A_396, %dma_start3A_434, %dma_start3A_435, %dma_start3A_436] : memref<6x8x50x32xf32, #tpu.memory_space<vmem>> -> memref<1x1x50x32xf32, #tpu.memory_space<vmem>>
    %dma_start3A_438 = tpu.memref_squeeze %dma_start3A_437 : memref<1x1x50x32xf32, #tpu.memory_space<vmem>> -> memref<50x32xf32, #tpu.memory_space<vmem>>
    %dma_start3A_439 = arith.constant 0 : i32
    %dma_start3A_440 = tpu.memref_slice %arg5[%add3A_433, %dma_start3A_439] : memref<512x50xi32, #tpu.memory_space<vmem>> -> memref<1x50xi32, #tpu.memory_space<vmem>>
    %dma_start3A_441 = tpu.memref_squeeze %dma_start3A_440 : memref<1x50xi32, #tpu.memory_space<vmem>> -> memref<50xi32, #tpu.memory_space<vmem>>
    %dma_start3A_442 = arith.constant 0 : i32
    %dma_start3A_443 = arith.constant 0 : i32
    %dma_start3A_444 = tpu.memref_slice %arg2[%dma_start3A_442, %dma_start3A_443] : memref<1000000x32xf32, #tpu.memory_space<hbm>> -> memref<1000000x32xf32, #tpu.memory_space<hbm>>
    tpu.enqueue_indirect_dma source(%dma_start3A_444 : memref<1000000x32xf32, #tpu.memory_space<hbm>>) target(%dma_start3A_438 : memref<50x32xf32, #tpu.memory_space<vmem>>) offsets(%dma_start3A_441 : memref<50xi32, #tpu.memory_space<vmem>>) semaphore(%arg7 : memref<!tpu.dma_semaphore, #tpu.memory_space<semaphore_mem>>)
    %mul3A_445 = arith.constant 3 : i32
    %mul3A_446 = arith.constant 8 : i32
    %mul3A_447 = arith.muli %mul3A_445, %mul3A_446 : i32
    %add3A_448 = arith.constant 3 : i32
    %add3A_449 = arith.addi %mul3A_447, %add3A_448 : i32
    %dma_start3A_450 = arith.constant 3 : i32
    %dma_start3A_451 = arith.constant 0 : i32
    %dma_start3A_452 = arith.constant 0 : i32
    %dma_start3A_453 = tpu.memref_slice %arg6[%rem3A_396, %dma_start3A_450, %dma_start3A_451, %dma_start3A_452] : memref<6x8x50x32xf32, #tpu.memory_space<vmem>> -> memref<1x1x50x32xf32, #tpu.memory_space<vmem>>
    %dma_start3A_454 = tpu.memref_squeeze %dma_start3A_453 : memref<1x1x50x32xf32, #tpu.memory_space<vmem>> -> memref<50x32xf32, #tpu.memory_space<vmem>>
    %dma_start3A_455 = arith.constant 0 : i32
    %dma_start3A_456 = tpu.memref_slice %arg5[%add3A_449, %dma_start3A_455] : memref<512x50xi32, #tpu.memory_space<vmem>> -> memref<1x50xi32, #tpu.memory_space<vmem>>
    %dma_start3A_457 = tpu.memref_squeeze %dma_start3A_456 : memref<1x50xi32, #tpu.memory_space<vmem>> -> memref<50xi32, #tpu.memory_space<vmem>>
    %dma_start3A_458 = arith.constant 0 : i32
    %dma_start3A_459 = arith.constant 0 : i32
    %dma_start3A_460 = tpu.memref_slice %arg2[%dma_start3A_458, %dma_start3A_459] : memref<1000000x32xf32, #tpu.memory_space<hbm>> -> memref<1000000x32xf32, #tpu.memory_space<hbm>>
    tpu.enqueue_indirect_dma source(%dma_start3A_460 : memref<1000000x32xf32, #tpu.memory_space<hbm>>) target(%dma_start3A_454 : memref<50x32xf32, #tpu.memory_space<vmem>>) offsets(%dma_start3A_457 : memref<50xi32, #tpu.memory_space<vmem>>) semaphore(%arg7 : memref<!tpu.dma_semaphore, #tpu.memory_space<semaphore_mem>>)
    %mul3A_461 = arith.constant 3 : i32
    %mul3A_462 = arith.constant 8 : i32
    %mul3A_463 = arith.muli %mul3A_461, %mul3A_462 : i32
    %add3A_464 = arith.constant 4 : i32
    %add3A_465 = arith.addi %mul3A_463, %add3A_464 : i32
    %dma_start3A_466 = arith.constant 4 : i32
    %dma_start3A_467 = arith.constant 0 : i32
    %dma_start3A_468 = arith.constant 0 : i32
    %dma_start3A_469 = tpu.memref_slice %arg6[%rem3A_396, %dma_start3A_466, %dma_start3A_467, %dma_start3A_468] : memref<6x8x50x32xf32, #tpu.memory_space<vmem>> -> memref<1x1x50x32xf32, #tpu.memory_space<vmem>>
    %dma_start3A_470 = tpu.memref_squeeze %dma_start3A_469 : memref<1x1x50x32xf32, #tpu.memory_space<vmem>> -> memref<50x32xf32, #tpu.memory_space<vmem>>
    %dma_start3A_471 = arith.constant 0 : i32
    %dma_start3A_472 = tpu.memref_slice %arg5[%add3A_465, %dma_start3A_471] : memref<512x50xi32, #tpu.memory_space<vmem>> -> memref<1x50xi32, #tpu.memory_space<vmem>>
    %dma_start3A_473 = tpu.memref_squeeze %dma_start3A_472 : memref<1x50xi32, #tpu.memory_space<vmem>> -> memref<50xi32, #tpu.memory_space<vmem>>
    %dma_start3A_474 = arith.constant 0 : i32
    %dma_start3A_475 = arith.constant 0 : i32
    %dma_start3A_476 = tpu.memref_slice %arg2[%dma_start3A_474, %dma_start3A_475] : memref<1000000x32xf32, #tpu.memory_space<hbm>> -> memref<1000000x32xf32, #tpu.memory_space<hbm>>
    tpu.enqueue_indirect_dma source(%dma_start3A_476 : memref<1000000x32xf32, #tpu.memory_space<hbm>>) target(%dma_start3A_470 : memref<50x32xf32, #tpu.memory_space<vmem>>) offsets(%dma_start3A_473 : memref<50xi32, #tpu.memory_space<vmem>>) semaphore(%arg7 : memref<!tpu.dma_semaphore, #tpu.memory_space<semaphore_mem>>)
    %mul3A_477 = arith.constant 3 : i32
    %mul3A_478 = arith.constant 8 : i32
    %mul3A_479 = arith.muli %mul3A_477, %mul3A_478 : i32
    %add3A_480 = arith.constant 5 : i32
    %add3A_481 = arith.addi %mul3A_479, %add3A_480 : i32
    %dma_start3A_482 = arith.constant 5 : i32
    %dma_start3A_483 = arith.constant 0 : i32
    %dma_start3A_484 = arith.constant 0 : i32
    %dma_start3A_485 = tpu.memref_slice %arg6[%rem3A_396, %dma_start3A_482, %dma_start3A_483, %dma_start3A_484] : memref<6x8x50x32xf32, #tpu.memory_space<vmem>> -> memref<1x1x50x32xf32, #tpu.memory_space<vmem>>
    %dma_start3A_486 = tpu.memref_squeeze %dma_start3A_485 : memref<1x1x50x32xf32, #tpu.memory_space<vmem>> -> memref<50x32xf32, #tpu.memory_space<vmem>>
    %dma_start3A_487 = arith.constant 0 : i32
    %dma_start3A_488 = tpu.memref_slice %arg5[%add3A_481, %dma_start3A_487] : memref<512x50xi32, #tpu.memory_space<vmem>> -> memref<1x50xi32, #tpu.memory_space<vmem>>
    %dma_start3A_489 = tpu.memref_squeeze %dma_start3A_488 : memref<1x50xi32, #tpu.memory_space<vmem>> -> memref<50xi32, #tpu.memory_space<vmem>>
    %dma_start3A_490 = arith.constant 0 : i32
    %dma_start3A_491 = arith.constant 0 : i32
    %dma_start3A_492 = tpu.memref_slice %arg2[%dma_start3A_490, %dma_start3A_491] : memref<1000000x32xf32, #tpu.memory_space<hbm>> -> memref<1000000x32xf32, #tpu.memory_space<hbm>>
    tpu.enqueue_indirect_dma source(%dma_start3A_492 : memref<1000000x32xf32, #tpu.memory_space<hbm>>) target(%dma_start3A_486 : memref<50x32xf32, #tpu.memory_space<vmem>>) offsets(%dma_start3A_489 : memref<50xi32, #tpu.memory_space<vmem>>) semaphore(%arg7 : memref<!tpu.dma_semaphore, #tpu.memory_space<semaphore_mem>>)
    %mul3A_493 = arith.constant 3 : i32
    %mul3A_494 = arith.constant 8 : i32
    %mul3A_495 = arith.muli %mul3A_493, %mul3A_494 : i32
    %add3A_496 = arith.constant 6 : i32
    %add3A_497 = arith.addi %mul3A_495, %add3A_496 : i32
    %dma_start3A_498 = arith.constant 6 : i32
    %dma_start3A_499 = arith.constant 0 : i32
    %dma_start3A_500 = arith.constant 0 : i32
    %dma_start3A_501 = tpu.memref_slice %arg6[%rem3A_396, %dma_start3A_498, %dma_start3A_499, %dma_start3A_500] : memref<6x8x50x32xf32, #tpu.memory_space<vmem>> -> memref<1x1x50x32xf32, #tpu.memory_space<vmem>>
    %dma_start3A_502 = tpu.memref_squeeze %dma_start3A_501 : memref<1x1x50x32xf32, #tpu.memory_space<vmem>> -> memref<50x32xf32, #tpu.memory_space<vmem>>
    %dma_start3A_503 = arith.constant 0 : i32
    %dma_start3A_504 = tpu.memref_slice %arg5[%add3A_497, %dma_start3A_503] : memref<512x50xi32, #tpu.memory_space<vmem>> -> memref<1x50xi32, #tpu.memory_space<vmem>>
    %dma_start3A_505 = tpu.memref_squeeze %dma_start3A_504 : memref<1x50xi32, #tpu.memory_space<vmem>> -> memref<50xi32, #tpu.memory_space<vmem>>
    %dma_start3A_506 = arith.constant 0 : i32
    %dma_start3A_507 = arith.constant 0 : i32
    %dma_start3A_508 = tpu.memref_slice %arg2[%dma_start3A_506, %dma_start3A_507] : memref<1000000x32xf32, #tpu.memory_space<hbm>> -> memref<1000000x32xf32, #tpu.memory_space<hbm>>
    tpu.enqueue_indirect_dma source(%dma_start3A_508 : memref<1000000x32xf32, #tpu.memory_space<hbm>>) target(%dma_start3A_502 : memref<50x32xf32, #tpu.memory_space<vmem>>) offsets(%dma_start3A_505 : memref<50xi32, #tpu.memory_space<vmem>>) semaphore(%arg7 : memref<!tpu.dma_semaphore, #tpu.memory_space<semaphore_mem>>)
    %mul3A_509 = arith.constant 3 : i32
    %mul3A_510 = arith.constant 8 : i32
    %mul3A_511 = arith.muli %mul3A_509, %mul3A_510 : i32
    %add3A_512 = arith.constant 7 : i32
    %add3A_513 = arith.addi %mul3A_511, %add3A_512 : i32
    %dma_start3A_514 = arith.constant 7 : i32
    %dma_start3A_515 = arith.constant 0 : i32
    %dma_start3A_516 = arith.constant 0 : i32
    %dma_start3A_517 = tpu.memref_slice %arg6[%rem3A_396, %dma_start3A_514, %dma_start3A_515, %dma_start3A_516] : memref<6x8x50x32xf32, #tpu.memory_space<vmem>> -> memref<1x1x50x32xf32, #tpu.memory_space<vmem>>
    %dma_start3A_518 = tpu.memref_squeeze %dma_start3A_517 : memref<1x1x50x32xf32, #tpu.memory_space<vmem>> -> memref<50x32xf32, #tpu.memory_space<vmem>>
    %dma_start3A_519 = arith.constant 0 : i32
    %dma_start3A_520 = tpu.memref_slice %arg5[%add3A_513, %dma_start3A_519] : memref<512x50xi32, #tpu.memory_space<vmem>> -> memref<1x50xi32, #tpu.memory_space<vmem>>
    %dma_start3A_521 = tpu.memref_squeeze %dma_start3A_520 : memref<1x50xi32, #tpu.memory_space<vmem>> -> memref<50xi32, #tpu.memory_space<vmem>>
    %dma_start3A_522 = arith.constant 0 : i32
    %dma_start3A_523 = arith.constant 0 : i32
    %dma_start3A_524 = tpu.memref_slice %arg2[%dma_start3A_522, %dma_start3A_523] : memref<1000000x32xf32, #tpu.memory_space<hbm>> -> memref<1000000x32xf32, #tpu.memory_space<hbm>>
    tpu.enqueue_indirect_dma source(%dma_start3A_524 : memref<1000000x32xf32, #tpu.memory_space<hbm>>) target(%dma_start3A_518 : memref<50x32xf32, #tpu.memory_space<vmem>>) offsets(%dma_start3A_521 : memref<50xi32, #tpu.memory_space<vmem>>) semaphore(%arg7 : memref<!tpu.dma_semaphore, #tpu.memory_space<semaphore_mem>>)
    %rem3A_525 = arith.constant 4 : i32
    %rem3A_526 = arith.constant 6 : i32
    %rem3A_527 = arith.remsi %rem3A_525, %rem3A_526 : i32
    %mul3A_528 = arith.constant 4 : i32
    %mul3A_529 = arith.constant 8 : i32
    %mul3A_530 = arith.muli %mul3A_528, %mul3A_529 : i32
    %add3A_531 = arith.constant 0 : i32
    %add3A_532 = arith.addi %mul3A_530, %add3A_531 : i32
    %dma_start3A_533 = arith.constant 0 : i32
    %dma_start3A_534 = arith.constant 0 : i32
    %dma_start3A_535 = arith.constant 0 : i32
    %dma_start3A_536 = tpu.memref_slice %arg6[%rem3A_527, %dma_start3A_533, %dma_start3A_534, %dma_start3A_535] : memref<6x8x50x32xf32, #tpu.memory_space<vmem>> -> memref<1x1x50x32xf32, #tpu.memory_space<vmem>>
    %dma_start3A_537 = tpu.memref_squeeze %dma_start3A_536 : memref<1x1x50x32xf32, #tpu.memory_space<vmem>> -> memref<50x32xf32, #tpu.memory_space<vmem>>
    %dma_start3A_538 = arith.constant 0 : i32
    %dma_start3A_539 = tpu.memref_slice %arg5[%add3A_532, %dma_start3A_538] : memref<512x50xi32, #tpu.memory_space<vmem>> -> memref<1x50xi32, #tpu.memory_space<vmem>>
    %dma_start3A_540 = tpu.memref_squeeze %dma_start3A_539 : memref<1x50xi32, #tpu.memory_space<vmem>> -> memref<50xi32, #tpu.memory_space<vmem>>
    %dma_start3A_541 = arith.constant 0 : i32
    %dma_start3A_542 = arith.constant 0 : i32
    %dma_start3A_543 = tpu.memref_slice %arg2[%dma_start3A_541, %dma_start3A_542] : memref<1000000x32xf32, #tpu.memory_space<hbm>> -> memref<1000000x32xf32, #tpu.memory_space<hbm>>
    tpu.enqueue_indirect_dma source(%dma_start3A_543 : memref<1000000x32xf32, #tpu.memory_space<hbm>>) target(%dma_start3A_537 : memref<50x32xf32, #tpu.memory_space<vmem>>) offsets(%dma_start3A_540 : memref<50xi32, #tpu.memory_space<vmem>>) semaphore(%arg7 : memref<!tpu.dma_semaphore, #tpu.memory_space<semaphore_mem>>)
    %mul3A_544 = arith.constant 4 : i32
    %mul3A_545 = arith.constant 8 : i32
    %mul3A_546 = arith.muli %mul3A_544, %mul3A_545 : i32
    %add3A_547 = arith.constant 1 : i32
    %add3A_548 = arith.addi %mul3A_546, %add3A_547 : i32
    %dma_start3A_549 = arith.constant 1 : i32
    %dma_start3A_550 = arith.constant 0 : i32
    %dma_start3A_551 = arith.constant 0 : i32
    %dma_start3A_552 = tpu.memref_slice %arg6[%rem3A_527, %dma_start3A_549, %dma_start3A_550, %dma_start3A_551] : memref<6x8x50x32xf32, #tpu.memory_space<vmem>> -> memref<1x1x50x32xf32, #tpu.memory_space<vmem>>
    %dma_start3A_553 = tpu.memref_squeeze %dma_start3A_552 : memref<1x1x50x32xf32, #tpu.memory_space<vmem>> -> memref<50x32xf32, #tpu.memory_space<vmem>>
    %dma_start3A_554 = arith.constant 0 : i32
    %dma_start3A_555 = tpu.memref_slice %arg5[%add3A_548, %dma_start3A_554] : memref<512x50xi32, #tpu.memory_space<vmem>> -> memref<1x50xi32, #tpu.memory_space<vmem>>
    %dma_start3A_556 = tpu.memref_squeeze %dma_start3A_555 : memref<1x50xi32, #tpu.memory_space<vmem>> -> memref<50xi32, #tpu.memory_space<vmem>>
    %dma_start3A_557 = arith.constant 0 : i32
    %dma_start3A_558 = arith.constant 0 : i32
    %dma_start3A_559 = tpu.memref_slice %arg2[%dma_start3A_557, %dma_start3A_558] : memref<1000000x32xf32, #tpu.memory_space<hbm>> -> memref<1000000x32xf32, #tpu.memory_space<hbm>>
    tpu.enqueue_indirect_dma source(%dma_start3A_559 : memref<1000000x32xf32, #tpu.memory_space<hbm>>) target(%dma_start3A_553 : memref<50x32xf32, #tpu.memory_space<vmem>>) offsets(%dma_start3A_556 : memref<50xi32, #tpu.memory_space<vmem>>) semaphore(%arg7 : memref<!tpu.dma_semaphore, #tpu.memory_space<semaphore_mem>>)
    %mul3A_560 = arith.constant 4 : i32
    %mul3A_561 = arith.constant 8 : i32
    %mul3A_562 = arith.muli %mul3A_560, %mul3A_561 : i32
    %add3A_563 = arith.constant 2 : i32
    %add3A_564 = arith.addi %mul3A_562, %add3A_563 : i32
    %dma_start3A_565 = arith.constant 2 : i32
    %dma_start3A_566 = arith.constant 0 : i32
    %dma_start3A_567 = arith.constant 0 : i32
    %dma_start3A_568 = tpu.memref_slice %arg6[%rem3A_527, %dma_start3A_565, %dma_start3A_566, %dma_start3A_567] : memref<6x8x50x32xf32, #tpu.memory_space<vmem>> -> memref<1x1x50x32xf32, #tpu.memory_space<vmem>>
    %dma_start3A_569 = tpu.memref_squeeze %dma_start3A_568 : memref<1x1x50x32xf32, #tpu.memory_space<vmem>> -> memref<50x32xf32, #tpu.memory_space<vmem>>
    %dma_start3A_570 = arith.constant 0 : i32
    %dma_start3A_571 = tpu.memref_slice %arg5[%add3A_564, %dma_start3A_570] : memref<512x50xi32, #tpu.memory_space<vmem>> -> memref<1x50xi32, #tpu.memory_space<vmem>>
    %dma_start3A_572 = tpu.memref_squeeze %dma_start3A_571 : memref<1x50xi32, #tpu.memory_space<vmem>> -> memref<50xi32, #tpu.memory_space<vmem>>
    %dma_start3A_573 = arith.constant 0 : i32
    %dma_start3A_574 = arith.constant 0 : i32
    %dma_start3A_575 = tpu.memref_slice %arg2[%dma_start3A_573, %dma_start3A_574] : memref<1000000x32xf32, #tpu.memory_space<hbm>> -> memref<1000000x32xf32, #tpu.memory_space<hbm>>
    tpu.enqueue_indirect_dma source(%dma_start3A_575 : memref<1000000x32xf32, #tpu.memory_space<hbm>>) target(%dma_start3A_569 : memref<50x32xf32, #tpu.memory_space<vmem>>) offsets(%dma_start3A_572 : memref<50xi32, #tpu.memory_space<vmem>>) semaphore(%arg7 : memref<!tpu.dma_semaphore, #tpu.memory_space<semaphore_mem>>)
    %mul3A_576 = arith.constant 4 : i32
    %mul3A_577 = arith.constant 8 : i32
    %mul3A_578 = arith.muli %mul3A_576, %mul3A_577 : i32
    %add3A_579 = arith.constant 3 : i32
    %add3A_580 = arith.addi %mul3A_578, %add3A_579 : i32
    %dma_start3A_581 = arith.constant 3 : i32
    %dma_start3A_582 = arith.constant 0 : i32
    %dma_start3A_583 = arith.constant 0 : i32
    %dma_start3A_584 = tpu.memref_slice %arg6[%rem3A_527, %dma_start3A_581, %dma_start3A_582, %dma_start3A_583] : memref<6x8x50x32xf32, #tpu.memory_space<vmem>> -> memref<1x1x50x32xf32, #tpu.memory_space<vmem>>
    %dma_start3A_585 = tpu.memref_squeeze %dma_start3A_584 : memref<1x1x50x32xf32, #tpu.memory_space<vmem>> -> memref<50x32xf32, #tpu.memory_space<vmem>>
    %dma_start3A_586 = arith.constant 0 : i32
    %dma_start3A_587 = tpu.memref_slice %arg5[%add3A_580, %dma_start3A_586] : memref<512x50xi32, #tpu.memory_space<vmem>> -> memref<1x50xi32, #tpu.memory_space<vmem>>
    %dma_start3A_588 = tpu.memref_squeeze %dma_start3A_587 : memref<1x50xi32, #tpu.memory_space<vmem>> -> memref<50xi32, #tpu.memory_space<vmem>>
    %dma_start3A_589 = arith.constant 0 : i32
    %dma_start3A_590 = arith.constant 0 : i32
    %dma_start3A_591 = tpu.memref_slice %arg2[%dma_start3A_589, %dma_start3A_590] : memref<1000000x32xf32, #tpu.memory_space<hbm>> -> memref<1000000x32xf32, #tpu.memory_space<hbm>>
    tpu.enqueue_indirect_dma source(%dma_start3A_591 : memref<1000000x32xf32, #tpu.memory_space<hbm>>) target(%dma_start3A_585 : memref<50x32xf32, #tpu.memory_space<vmem>>) offsets(%dma_start3A_588 : memref<50xi32, #tpu.memory_space<vmem>>) semaphore(%arg7 : memref<!tpu.dma_semaphore, #tpu.memory_space<semaphore_mem>>)
    %mul3A_592 = arith.constant 4 : i32
    %mul3A_593 = arith.constant 8 : i32
    %mul3A_594 = arith.muli %mul3A_592, %mul3A_593 : i32
    %add3A_595 = arith.constant 4 : i32
    %add3A_596 = arith.addi %mul3A_594, %add3A_595 : i32
    %dma_start3A_597 = arith.constant 4 : i32
    %dma_start3A_598 = arith.constant 0 : i32
    %dma_start3A_599 = arith.constant 0 : i32
    %dma_start3A_600 = tpu.memref_slice %arg6[%rem3A_527, %dma_start3A_597, %dma_start3A_598, %dma_start3A_599] : memref<6x8x50x32xf32, #tpu.memory_space<vmem>> -> memref<1x1x50x32xf32, #tpu.memory_space<vmem>>
    %dma_start3A_601 = tpu.memref_squeeze %dma_start3A_600 : memref<1x1x50x32xf32, #tpu.memory_space<vmem>> -> memref<50x32xf32, #tpu.memory_space<vmem>>
    %dma_start3A_602 = arith.constant 0 : i32
    %dma_start3A_603 = tpu.memref_slice %arg5[%add3A_596, %dma_start3A_602] : memref<512x50xi32, #tpu.memory_space<vmem>> -> memref<1x50xi32, #tpu.memory_space<vmem>>
    %dma_start3A_604 = tpu.memref_squeeze %dma_start3A_603 : memref<1x50xi32, #tpu.memory_space<vmem>> -> memref<50xi32, #tpu.memory_space<vmem>>
    %dma_start3A_605 = arith.constant 0 : i32
    %dma_start3A_606 = arith.constant 0 : i32
    %dma_start3A_607 = tpu.memref_slice %arg2[%dma_start3A_605, %dma_start3A_606] : memref<1000000x32xf32, #tpu.memory_space<hbm>> -> memref<1000000x32xf32, #tpu.memory_space<hbm>>
    tpu.enqueue_indirect_dma source(%dma_start3A_607 : memref<1000000x32xf32, #tpu.memory_space<hbm>>) target(%dma_start3A_601 : memref<50x32xf32, #tpu.memory_space<vmem>>) offsets(%dma_start3A_604 : memref<50xi32, #tpu.memory_space<vmem>>) semaphore(%arg7 : memref<!tpu.dma_semaphore, #tpu.memory_space<semaphore_mem>>)
    %mul3A_608 = arith.constant 4 : i32
    %mul3A_609 = arith.constant 8 : i32
    %mul3A_610 = arith.muli %mul3A_608, %mul3A_609 : i32
    %add3A_611 = arith.constant 5 : i32
    %add3A_612 = arith.addi %mul3A_610, %add3A_611 : i32
    %dma_start3A_613 = arith.constant 5 : i32
    %dma_start3A_614 = arith.constant 0 : i32
    %dma_start3A_615 = arith.constant 0 : i32
    %dma_start3A_616 = tpu.memref_slice %arg6[%rem3A_527, %dma_start3A_613, %dma_start3A_614, %dma_start3A_615] : memref<6x8x50x32xf32, #tpu.memory_space<vmem>> -> memref<1x1x50x32xf32, #tpu.memory_space<vmem>>
    %dma_start3A_617 = tpu.memref_squeeze %dma_start3A_616 : memref<1x1x50x32xf32, #tpu.memory_space<vmem>> -> memref<50x32xf32, #tpu.memory_space<vmem>>
    %dma_start3A_618 = arith.constant 0 : i32
    %dma_start3A_619 = tpu.memref_slice %arg5[%add3A_612, %dma_start3A_618] : memref<512x50xi32, #tpu.memory_space<vmem>> -> memref<1x50xi32, #tpu.memory_space<vmem>>
    %dma_start3A_620 = tpu.memref_squeeze %dma_start3A_619 : memref<1x50xi32, #tpu.memory_space<vmem>> -> memref<50xi32, #tpu.memory_space<vmem>>
    %dma_start3A_621 = arith.constant 0 : i32
    %dma_start3A_622 = arith.constant 0 : i32
    %dma_start3A_623 = tpu.memref_slice %arg2[%dma_start3A_621, %dma_start3A_622] : memref<1000000x32xf32, #tpu.memory_space<hbm>> -> memref<1000000x32xf32, #tpu.memory_space<hbm>>
    tpu.enqueue_indirect_dma source(%dma_start3A_623 : memref<1000000x32xf32, #tpu.memory_space<hbm>>) target(%dma_start3A_617 : memref<50x32xf32, #tpu.memory_space<vmem>>) offsets(%dma_start3A_620 : memref<50xi32, #tpu.memory_space<vmem>>) semaphore(%arg7 : memref<!tpu.dma_semaphore, #tpu.memory_space<semaphore_mem>>)
    %mul3A_624 = arith.constant 4 : i32
    %mul3A_625 = arith.constant 8 : i32
    %mul3A_626 = arith.muli %mul3A_624, %mul3A_625 : i32
    %add3A_627 = arith.constant 6 : i32
    %add3A_628 = arith.addi %mul3A_626, %add3A_627 : i32
    %dma_start3A_629 = arith.constant 6 : i32
    %dma_start3A_630 = arith.constant 0 : i32
    %dma_start3A_631 = arith.constant 0 : i32
    %dma_start3A_632 = tpu.memref_slice %arg6[%rem3A_527, %dma_start3A_629, %dma_start3A_630, %dma_start3A_631] : memref<6x8x50x32xf32, #tpu.memory_space<vmem>> -> memref<1x1x50x32xf32, #tpu.memory_space<vmem>>
    %dma_start3A_633 = tpu.memref_squeeze %dma_start3A_632 : memref<1x1x50x32xf32, #tpu.memory_space<vmem>> -> memref<50x32xf32, #tpu.memory_space<vmem>>
    %dma_start3A_634 = arith.constant 0 : i32
    %dma_start3A_635 = tpu.memref_slice %arg5[%add3A_628, %dma_start3A_634] : memref<512x50xi32, #tpu.memory_space<vmem>> -> memref<1x50xi32, #tpu.memory_space<vmem>>
    %dma_start3A_636 = tpu.memref_squeeze %dma_start3A_635 : memref<1x50xi32, #tpu.memory_space<vmem>> -> memref<50xi32, #tpu.memory_space<vmem>>
    %dma_start3A_637 = arith.constant 0 : i32
    %dma_start3A_638 = arith.constant 0 : i32
    %dma_start3A_639 = tpu.memref_slice %arg2[%dma_start3A_637, %dma_start3A_638] : memref<1000000x32xf32, #tpu.memory_space<hbm>> -> memref<1000000x32xf32, #tpu.memory_space<hbm>>
    tpu.enqueue_indirect_dma source(%dma_start3A_639 : memref<1000000x32xf32, #tpu.memory_space<hbm>>) target(%dma_start3A_633 : memref<50x32xf32, #tpu.memory_space<vmem>>) offsets(%dma_start3A_636 : memref<50xi32, #tpu.memory_space<vmem>>) semaphore(%arg7 : memref<!tpu.dma_semaphore, #tpu.memory_space<semaphore_mem>>)
    %mul3A_640 = arith.constant 4 : i32
    %mul3A_641 = arith.constant 8 : i32
    %mul3A_642 = arith.muli %mul3A_640, %mul3A_641 : i32
    %add3A_643 = arith.constant 7 : i32
    %add3A_644 = arith.addi %mul3A_642, %add3A_643 : i32
    %dma_start3A_645 = arith.constant 7 : i32
    %dma_start3A_646 = arith.constant 0 : i32
    %dma_start3A_647 = arith.constant 0 : i32
    %dma_start3A_648 = tpu.memref_slice %arg6[%rem3A_527, %dma_start3A_645, %dma_start3A_646, %dma_start3A_647] : memref<6x8x50x32xf32, #tpu.memory_space<vmem>> -> memref<1x1x50x32xf32, #tpu.memory_space<vmem>>
    %dma_start3A_649 = tpu.memref_squeeze %dma_start3A_648 : memref<1x1x50x32xf32, #tpu.memory_space<vmem>> -> memref<50x32xf32, #tpu.memory_space<vmem>>
    %dma_start3A_650 = arith.constant 0 : i32
    %dma_start3A_651 = tpu.memref_slice %arg5[%add3A_644, %dma_start3A_650] : memref<512x50xi32, #tpu.memory_space<vmem>> -> memref<1x50xi32, #tpu.memory_space<vmem>>
    %dma_start3A_652 = tpu.memref_squeeze %dma_start3A_651 : memref<1x50xi32, #tpu.memory_space<vmem>> -> memref<50xi32, #tpu.memory_space<vmem>>
    %dma_start3A_653 = arith.constant 0 : i32
    %dma_start3A_654 = arith.constant 0 : i32
    %dma_start3A_655 = tpu.memref_slice %arg2[%dma_start3A_653, %dma_start3A_654] : memref<1000000x32xf32, #tpu.memory_space<hbm>> -> memref<1000000x32xf32, #tpu.memory_space<hbm>>
    tpu.enqueue_indirect_dma source(%dma_start3A_655 : memref<1000000x32xf32, #tpu.memory_space<hbm>>) target(%dma_start3A_649 : memref<50x32xf32, #tpu.memory_space<vmem>>) offsets(%dma_start3A_652 : memref<50xi32, #tpu.memory_space<vmem>>) semaphore(%arg7 : memref<!tpu.dma_semaphore, #tpu.memory_space<semaphore_mem>>)
    %scan3A = arith.constant 0 : i32
    %scan3A_656 = arith.constant 0 : i32
    %scan3A_657 = arith.constant 64 : i32
    %scan3A_658 = arith.addi %scan3A_656, %scan3A_657 : i32
    %scan3A_659 = arith.constant 1 : i32
    scf.for %scan3A_683 = %scan3A_656 to %scan3A_658 step %scan3A_659  : i32 {
      %rem3A_684 = arith.constant 6 : i32
      %rem3A_685 = arith.remsi %scan3A_683, %rem3A_684 : i32
      %mul3A_686 = arith.constant 8 : i32
      %mul3A_687 = arith.muli %scan3A_683, %mul3A_686 : i32
      %add3A_688 = arith.constant 0 : i32
      %add3A_689 = arith.addi %mul3A_687, %add3A_688 : i32
      %dma_wait3A_690 = arith.constant 0 : i32
      %dma_wait3A_691 = arith.constant 0 : i32
      %dma_wait3A_692 = arith.constant 0 : i32
      %dma_wait3A_693 = tpu.memref_slice %arg6[%rem3A_685, %dma_wait3A_690, %dma_wait3A_691, %dma_wait3A_692] : memref<6x8x50x32xf32, #tpu.memory_space<vmem>> -> memref<1x1x50x32xf32, #tpu.memory_space<vmem>>
      %dma_wait3A_694 = tpu.memref_squeeze %dma_wait3A_693 : memref<1x1x50x32xf32, #tpu.memory_space<vmem>> -> memref<50x32xf32, #tpu.memory_space<vmem>>
      %dma_wait3A_695 = arith.constant 0 : i32
      %dma_wait3A_696 = tpu.memref_slice %arg5[%add3A_689, %dma_wait3A_695] : memref<512x50xi32, #tpu.memory_space<vmem>> -> memref<1x50xi32, #tpu.memory_space<vmem>>
      %dma_wait3A_697 = tpu.memref_squeeze %dma_wait3A_696 : memref<1x50xi32, #tpu.memory_space<vmem>> -> memref<50xi32, #tpu.memory_space<vmem>>
      %dma_wait3A_698 = arith.constant 0 : i32
      %dma_wait3A_699 = arith.constant 0 : i32
      %dma_wait3A_700 = tpu.memref_slice %arg2[%dma_wait3A_698, %dma_wait3A_699] : memref<1000000x32xf32, #tpu.memory_space<hbm>> -> memref<1000000x32xf32, #tpu.memory_space<hbm>>
      tpu.wait_indirect_dma semaphore(%arg7 : memref<!tpu.dma_semaphore, #tpu.memory_space<semaphore_mem>>) src(%dma_wait3A_700 : memref<1000000x32xf32, #tpu.memory_space<hbm>>) dst(%dma_wait3A_694 : memref<50x32xf32, #tpu.memory_space<vmem>>)
      %mul3A_701 = arith.constant 8 : i32
      %mul3A_702 = arith.muli %scan3A_683, %mul3A_701 : i32
      %add3A_703 = arith.constant 1 : i32
      %add3A_704 = arith.addi %mul3A_702, %add3A_703 : i32
      %dma_wait3A_705 = arith.constant 1 : i32
      %dma_wait3A_706 = arith.constant 0 : i32
      %dma_wait3A_707 = arith.constant 0 : i32
      %dma_wait3A_708 = tpu.memref_slice %arg6[%rem3A_685, %dma_wait3A_705, %dma_wait3A_706, %dma_wait3A_707] : memref<6x8x50x32xf32, #tpu.memory_space<vmem>> -> memref<1x1x50x32xf32, #tpu.memory_space<vmem>>
      %dma_wait3A_709 = tpu.memref_squeeze %dma_wait3A_708 : memref<1x1x50x32xf32, #tpu.memory_space<vmem>> -> memref<50x32xf32, #tpu.memory_space<vmem>>
      %dma_wait3A_710 = arith.constant 0 : i32
      %dma_wait3A_711 = tpu.memref_slice %arg5[%add3A_704, %dma_wait3A_710] : memref<512x50xi32, #tpu.memory_space<vmem>> -> memref<1x50xi32, #tpu.memory_space<vmem>>
      %dma_wait3A_712 = tpu.memref_squeeze %dma_wait3A_711 : memref<1x50xi32, #tpu.memory_space<vmem>> -> memref<50xi32, #tpu.memory_space<vmem>>
      %dma_wait3A_713 = arith.constant 0 : i32
      %dma_wait3A_714 = arith.constant 0 : i32
      %dma_wait3A_715 = tpu.memref_slice %arg2[%dma_wait3A_713, %dma_wait3A_714] : memref<1000000x32xf32, #tpu.memory_space<hbm>> -> memref<1000000x32xf32, #tpu.memory_space<hbm>>
      tpu.wait_indirect_dma semaphore(%arg7 : memref<!tpu.dma_semaphore, #tpu.memory_space<semaphore_mem>>) src(%dma_wait3A_715 : memref<1000000x32xf32, #tpu.memory_space<hbm>>) dst(%dma_wait3A_709 : memref<50x32xf32, #tpu.memory_space<vmem>>)
      %mul3A_716 = arith.constant 8 : i32
      %mul3A_717 = arith.muli %scan3A_683, %mul3A_716 : i32
      %add3A_718 = arith.constant 2 : i32
      %add3A_719 = arith.addi %mul3A_717, %add3A_718 : i32
      %dma_wait3A_720 = arith.constant 2 : i32
      %dma_wait3A_721 = arith.constant 0 : i32
      %dma_wait3A_722 = arith.constant 0 : i32
      %dma_wait3A_723 = tpu.memref_slice %arg6[%rem3A_685, %dma_wait3A_720, %dma_wait3A_721, %dma_wait3A_722] : memref<6x8x50x32xf32, #tpu.memory_space<vmem>> -> memref<1x1x50x32xf32, #tpu.memory_space<vmem>>
      %dma_wait3A_724 = tpu.memref_squeeze %dma_wait3A_723 : memref<1x1x50x32xf32, #tpu.memory_space<vmem>> -> memref<50x32xf32, #tpu.memory_space<vmem>>
      %dma_wait3A_725 = arith.constant 0 : i32
      %dma_wait3A_726 = tpu.memref_slice %arg5[%add3A_719, %dma_wait3A_725] : memref<512x50xi32, #tpu.memory_space<vmem>> -> memref<1x50xi32, #tpu.memory_space<vmem>>
      %dma_wait3A_727 = tpu.memref_squeeze %dma_wait3A_726 : memref<1x50xi32, #tpu.memory_space<vmem>> -> memref<50xi32, #tpu.memory_space<vmem>>
      %dma_wait3A_728 = arith.constant 0 : i32
      %dma_wait3A_729 = arith.constant 0 : i32
      %dma_wait3A_730 = tpu.memref_slice %arg2[%dma_wait3A_728, %dma_wait3A_729] : memref<1000000x32xf32, #tpu.memory_space<hbm>> -> memref<1000000x32xf32, #tpu.memory_space<hbm>>
      tpu.wait_indirect_dma semaphore(%arg7 : memref<!tpu.dma_semaphore, #tpu.memory_space<semaphore_mem>>) src(%dma_wait3A_730 : memref<1000000x32xf32, #tpu.memory_space<hbm>>) dst(%dma_wait3A_724 : memref<50x32xf32, #tpu.memory_space<vmem>>)
      %mul3A_731 = arith.constant 8 : i32
      %mul3A_732 = arith.muli %scan3A_683, %mul3A_731 : i32
      %add3A_733 = arith.constant 3 : i32
      %add3A_734 = arith.addi %mul3A_732, %add3A_733 : i32
      %dma_wait3A_735 = arith.constant 3 : i32
      %dma_wait3A_736 = arith.constant 0 : i32
      %dma_wait3A_737 = arith.constant 0 : i32
      %dma_wait3A_738 = tpu.memref_slice %arg6[%rem3A_685, %dma_wait3A_735, %dma_wait3A_736, %dma_wait3A_737] : memref<6x8x50x32xf32, #tpu.memory_space<vmem>> -> memref<1x1x50x32xf32, #tpu.memory_space<vmem>>
      %dma_wait3A_739 = tpu.memref_squeeze %dma_wait3A_738 : memref<1x1x50x32xf32, #tpu.memory_space<vmem>> -> memref<50x32xf32, #tpu.memory_space<vmem>>
      %dma_wait3A_740 = arith.constant 0 : i32
      %dma_wait3A_741 = tpu.memref_slice %arg5[%add3A_734, %dma_wait3A_740] : memref<512x50xi32, #tpu.memory_space<vmem>> -> memref<1x50xi32, #tpu.memory_space<vmem>>
      %dma_wait3A_742 = tpu.memref_squeeze %dma_wait3A_741 : memref<1x50xi32, #tpu.memory_space<vmem>> -> memref<50xi32, #tpu.memory_space<vmem>>
      %dma_wait3A_743 = arith.constant 0 : i32
      %dma_wait3A_744 = arith.constant 0 : i32
      %dma_wait3A_745 = tpu.memref_slice %arg2[%dma_wait3A_743, %dma_wait3A_744] : memref<1000000x32xf32, #tpu.memory_space<hbm>> -> memref<1000000x32xf32, #tpu.memory_space<hbm>>
      tpu.wait_indirect_dma semaphore(%arg7 : memref<!tpu.dma_semaphore, #tpu.memory_space<semaphore_mem>>) src(%dma_wait3A_745 : memref<1000000x32xf32, #tpu.memory_space<hbm>>) dst(%dma_wait3A_739 : memref<50x32xf32, #tpu.memory_space<vmem>>)
      %mul3A_746 = arith.constant 8 : i32
      %mul3A_747 = arith.muli %scan3A_683, %mul3A_746 : i32
      %add3A_748 = arith.constant 4 : i32
      %add3A_749 = arith.addi %mul3A_747, %add3A_748 : i32
      %dma_wait3A_750 = arith.constant 4 : i32
      %dma_wait3A_751 = arith.constant 0 : i32
      %dma_wait3A_752 = arith.constant 0 : i32
      %dma_wait3A_753 = tpu.memref_slice %arg6[%rem3A_685, %dma_wait3A_750, %dma_wait3A_751, %dma_wait3A_752] : memref<6x8x50x32xf32, #tpu.memory_space<vmem>> -> memref<1x1x50x32xf32, #tpu.memory_space<vmem>>
      %dma_wait3A_754 = tpu.memref_squeeze %dma_wait3A_753 : memref<1x1x50x32xf32, #tpu.memory_space<vmem>> -> memref<50x32xf32, #tpu.memory_space<vmem>>
      %dma_wait3A_755 = arith.constant 0 : i32
      %dma_wait3A_756 = tpu.memref_slice %arg5[%add3A_749, %dma_wait3A_755] : memref<512x50xi32, #tpu.memory_space<vmem>> -> memref<1x50xi32, #tpu.memory_space<vmem>>
      %dma_wait3A_757 = tpu.memref_squeeze %dma_wait3A_756 : memref<1x50xi32, #tpu.memory_space<vmem>> -> memref<50xi32, #tpu.memory_space<vmem>>
      %dma_wait3A_758 = arith.constant 0 : i32
      %dma_wait3A_759 = arith.constant 0 : i32
      %dma_wait3A_760 = tpu.memref_slice %arg2[%dma_wait3A_758, %dma_wait3A_759] : memref<1000000x32xf32, #tpu.memory_space<hbm>> -> memref<1000000x32xf32, #tpu.memory_space<hbm>>
      tpu.wait_indirect_dma semaphore(%arg7 : memref<!tpu.dma_semaphore, #tpu.memory_space<semaphore_mem>>) src(%dma_wait3A_760 : memref<1000000x32xf32, #tpu.memory_space<hbm>>) dst(%dma_wait3A_754 : memref<50x32xf32, #tpu.memory_space<vmem>>)
      %mul3A_761 = arith.constant 8 : i32
      %mul3A_762 = arith.muli %scan3A_683, %mul3A_761 : i32
      %add3A_763 = arith.constant 5 : i32
      %add3A_764 = arith.addi %mul3A_762, %add3A_763 : i32
      %dma_wait3A_765 = arith.constant 5 : i32
      %dma_wait3A_766 = arith.constant 0 : i32
      %dma_wait3A_767 = arith.constant 0 : i32
      %dma_wait3A_768 = tpu.memref_slice %arg6[%rem3A_685, %dma_wait3A_765, %dma_wait3A_766, %dma_wait3A_767] : memref<6x8x50x32xf32, #tpu.memory_space<vmem>> -> memref<1x1x50x32xf32, #tpu.memory_space<vmem>>
      %dma_wait3A_769 = tpu.memref_squeeze %dma_wait3A_768 : memref<1x1x50x32xf32, #tpu.memory_space<vmem>> -> memref<50x32xf32, #tpu.memory_space<vmem>>
      %dma_wait3A_770 = arith.constant 0 : i32
      %dma_wait3A_771 = tpu.memref_slice %arg5[%add3A_764, %dma_wait3A_770] : memref<512x50xi32, #tpu.memory_space<vmem>> -> memref<1x50xi32, #tpu.memory_space<vmem>>
      %dma_wait3A_772 = tpu.memref_squeeze %dma_wait3A_771 : memref<1x50xi32, #tpu.memory_space<vmem>> -> memref<50xi32, #tpu.memory_space<vmem>>
      %dma_wait3A_773 = arith.constant 0 : i32
      %dma_wait3A_774 = arith.constant 0 : i32
      %dma_wait3A_775 = tpu.memref_slice %arg2[%dma_wait3A_773, %dma_wait3A_774] : memref<1000000x32xf32, #tpu.memory_space<hbm>> -> memref<1000000x32xf32, #tpu.memory_space<hbm>>
      tpu.wait_indirect_dma semaphore(%arg7 : memref<!tpu.dma_semaphore, #tpu.memory_space<semaphore_mem>>) src(%dma_wait3A_775 : memref<1000000x32xf32, #tpu.memory_space<hbm>>) dst(%dma_wait3A_769 : memref<50x32xf32, #tpu.memory_space<vmem>>)
      %mul3A_776 = arith.constant 8 : i32
      %mul3A_777 = arith.muli %scan3A_683, %mul3A_776 : i32
      %add3A_778 = arith.constant 6 : i32
      %add3A_779 = arith.addi %mul3A_777, %add3A_778 : i32
      %dma_wait3A_780 = arith.constant 6 : i32
      %dma_wait3A_781 = arith.constant 0 : i32
      %dma_wait3A_782 = arith.constant 0 : i32
      %dma_wait3A_783 = tpu.memref_slice %arg6[%rem3A_685, %dma_wait3A_780, %dma_wait3A_781, %dma_wait3A_782] : memref<6x8x50x32xf32, #tpu.memory_space<vmem>> -> memref<1x1x50x32xf32, #tpu.memory_space<vmem>>
      %dma_wait3A_784 = tpu.memref_squeeze %dma_wait3A_783 : memref<1x1x50x32xf32, #tpu.memory_space<vmem>> -> memref<50x32xf32, #tpu.memory_space<vmem>>
      %dma_wait3A_785 = arith.constant 0 : i32
      %dma_wait3A_786 = tpu.memref_slice %arg5[%add3A_779, %dma_wait3A_785] : memref<512x50xi32, #tpu.memory_space<vmem>> -> memref<1x50xi32, #tpu.memory_space<vmem>>
      %dma_wait3A_787 = tpu.memref_squeeze %dma_wait3A_786 : memref<1x50xi32, #tpu.memory_space<vmem>> -> memref<50xi32, #tpu.memory_space<vmem>>
      %dma_wait3A_788 = arith.constant 0 : i32
      %dma_wait3A_789 = arith.constant 0 : i32
      %dma_wait3A_790 = tpu.memref_slice %arg2[%dma_wait3A_788, %dma_wait3A_789] : memref<1000000x32xf32, #tpu.memory_space<hbm>> -> memref<1000000x32xf32, #tpu.memory_space<hbm>>
      tpu.wait_indirect_dma semaphore(%arg7 : memref<!tpu.dma_semaphore, #tpu.memory_space<semaphore_mem>>) src(%dma_wait3A_790 : memref<1000000x32xf32, #tpu.memory_space<hbm>>) dst(%dma_wait3A_784 : memref<50x32xf32, #tpu.memory_space<vmem>>)
      %mul3A_791 = arith.constant 8 : i32
      %mul3A_792 = arith.muli %scan3A_683, %mul3A_791 : i32
      %add3A_793 = arith.constant 7 : i32
      %add3A_794 = arith.addi %mul3A_792, %add3A_793 : i32
      %dma_wait3A_795 = arith.constant 7 : i32
      %dma_wait3A_796 = arith.constant 0 : i32
      %dma_wait3A_797 = arith.constant 0 : i32
      %dma_wait3A_798 = tpu.memref_slice %arg6[%rem3A_685, %dma_wait3A_795, %dma_wait3A_796, %dma_wait3A_797] : memref<6x8x50x32xf32, #tpu.memory_space<vmem>> -> memref<1x1x50x32xf32, #tpu.memory_space<vmem>>
      %dma_wait3A_799 = tpu.memref_squeeze %dma_wait3A_798 : memref<1x1x50x32xf32, #tpu.memory_space<vmem>> -> memref<50x32xf32, #tpu.memory_space<vmem>>
      %dma_wait3A_800 = arith.constant 0 : i32
      %dma_wait3A_801 = tpu.memref_slice %arg5[%add3A_794, %dma_wait3A_800] : memref<512x50xi32, #tpu.memory_space<vmem>> -> memref<1x50xi32, #tpu.memory_space<vmem>>
      %dma_wait3A_802 = tpu.memref_squeeze %dma_wait3A_801 : memref<1x50xi32, #tpu.memory_space<vmem>> -> memref<50xi32, #tpu.memory_space<vmem>>
      %dma_wait3A_803 = arith.constant 0 : i32
      %dma_wait3A_804 = arith.constant 0 : i32
      %dma_wait3A_805 = tpu.memref_slice %arg2[%dma_wait3A_803, %dma_wait3A_804] : memref<1000000x32xf32, #tpu.memory_space<hbm>> -> memref<1000000x32xf32, #tpu.memory_space<hbm>>
      tpu.wait_indirect_dma semaphore(%arg7 : memref<!tpu.dma_semaphore, #tpu.memory_space<semaphore_mem>>) src(%dma_wait3A_805 : memref<1000000x32xf32, #tpu.memory_space<hbm>>) dst(%dma_wait3A_799 : memref<50x32xf32, #tpu.memory_space<vmem>>)
      %rem3A_806 = arith.constant 6 : i32
      %rem3A_807 = arith.remsi %scan3A_683, %rem3A_806 : i32
      %mul3A_808 = arith.constant 8 : i32
      %mul3A_809 = arith.muli %scan3A_683, %mul3A_808 : i32
      %add3A_810 = arith.addi %mul3A_2, %mul3A_809 : i32
      %dma_start3A_811 = arith.constant 0 : i32
      %dma_start3A_812 = arith.constant 0 : i32
      %dma_start3A_813 = arith.constant 0 : i32
      %dma_start3A_814 = tpu.memref_slice %arg6[%rem3A_807, %dma_start3A_811, %dma_start3A_812, %dma_start3A_813] : memref<6x8x50x32xf32, #tpu.memory_space<vmem>> -> memref<1x8x50x32xf32, #tpu.memory_space<vmem>>
      %dma_start3A_815 = tpu.memref_squeeze %dma_start3A_814 : memref<1x8x50x32xf32, #tpu.memory_space<vmem>> -> memref<8x50x32xf32, #tpu.memory_space<vmem>>
      %dma_start3A_816 = arith.constant 0 : i32
      %dma_start3A_817 = arith.constant 0 : i32
      %dma_start3A_818 = tpu.memref_slice %arg4[%add3A_810, %dma_start3A_816, %dma_start3A_817] : memref<16384x50x32xf32, #tpu.memory_space<hbm>> -> memref<8x50x32xf32, #tpu.memory_space<hbm>>
      %dma_start3A_819 = arith.constant 0 : i32
      %dma_start3A_820 = arith.constant 0 : i32
      %dma_start3A_821 = tpu.memref_slice %arg4[%add3A_810, %dma_start3A_819, %dma_start3A_820] : memref<16384x50x32xf32, #tpu.memory_space<hbm>> -> memref<8x50x32xf32, #tpu.memory_space<hbm>>
      %dma_start3A_822 = arith.constant 0 : i32
      %dma_start3A_823 = arith.constant 0 : i32
      %dma_start3A_824 = arith.constant 0 : i32
      %dma_start3A_825 = tpu.memref_slice %arg6[%rem3A_807, %dma_start3A_822, %dma_start3A_823, %dma_start3A_824] : memref<6x8x50x32xf32, #tpu.memory_space<vmem>> -> memref<1x8x50x32xf32, #tpu.memory_space<vmem>>
      %dma_start3A_826 = tpu.memref_squeeze %dma_start3A_825 : memref<1x8x50x32xf32, #tpu.memory_space<vmem>> -> memref<8x50x32xf32, #tpu.memory_space<vmem>>
      tpu.enqueue_dma source(%dma_start3A_826 : memref<8x50x32xf32, #tpu.memory_space<vmem>>) target(%dma_start3A_821 : memref<8x50x32xf32, #tpu.memory_space<hbm>>) target_semaphore(%arg8 : memref<!tpu.dma_semaphore, #tpu.memory_space<semaphore_mem>>)
      %ge3A = arith.constant 1 : i32
      %ge3A_827 = arith.cmpi sge, %scan3A_683, %ge3A : i32
      %convert_element_type3A = arith.extui %ge3A_827 : i1 to i32
      %cond3A = arith.constant 0 : i32
      %cond3A_828 = arith.cmpi ne, %convert_element_type3A, %cond3A : i32
      scf.if %cond3A_828 {
        %sub3A = arith.constant 1 : i32
        %sub3A_835 = arith.subi %scan3A_683, %sub3A : i32
        %rem3A_836 = arith.constant 6 : i32
        %rem3A_837 = arith.remsi %sub3A_835, %rem3A_836 : i32
        %mul3A_838 = arith.constant 8 : i32
        %mul3A_839 = arith.muli %sub3A_835, %mul3A_838 : i32
        %add3A_840 = arith.addi %mul3A_2, %mul3A_839 : i32
        %dma_wait3A_841 = arith.constant 0 : i32
        %dma_wait3A_842 = arith.constant 0 : i32
        %dma_wait3A_843 = arith.constant 0 : i32
        %dma_wait3A_844 = tpu.memref_slice %arg6[%rem3A_837, %dma_wait3A_841, %dma_wait3A_842, %dma_wait3A_843] : memref<6x8x50x32xf32, #tpu.memory_space<vmem>> -> memref<1x8x50x32xf32, #tpu.memory_space<vmem>>
        %dma_wait3A_845 = tpu.memref_squeeze %dma_wait3A_844 : memref<1x8x50x32xf32, #tpu.memory_space<vmem>> -> memref<8x50x32xf32, #tpu.memory_space<vmem>>
        %dma_wait3A_846 = arith.constant 0 : i32
        %dma_wait3A_847 = arith.constant 0 : i32
        %dma_wait3A_848 = tpu.memref_slice %arg4[%add3A_840, %dma_wait3A_846, %dma_wait3A_847] : memref<16384x50x32xf32, #tpu.memory_space<hbm>> -> memref<8x50x32xf32, #tpu.memory_space<hbm>>
        %dma_wait3A_849 = arith.constant 0 : i32
        %dma_wait3A_850 = arith.constant 0 : i32
        %dma_wait3A_851 = tpu.memref_slice %arg4[%add3A_840, %dma_wait3A_849, %dma_wait3A_850] : memref<16384x50x32xf32, #tpu.memory_space<hbm>> -> memref<8x50x32xf32, #tpu.memory_space<hbm>>
        %dma_wait3A_852 = arith.constant 0 : i32
        %dma_wait3A_853 = arith.constant 0 : i32
        %dma_wait3A_854 = arith.constant 0 : i32
        %dma_wait3A_855 = tpu.memref_slice %arg6[%rem3A_837, %dma_wait3A_852, %dma_wait3A_853, %dma_wait3A_854] : memref<6x8x50x32xf32, #tpu.memory_space<vmem>> -> memref<1x8x50x32xf32, #tpu.memory_space<vmem>>
        %dma_wait3A_856 = tpu.memref_squeeze %dma_wait3A_855 : memref<1x8x50x32xf32, #tpu.memory_space<vmem>> -> memref<8x50x32xf32, #tpu.memory_space<vmem>>
        tpu.wait_dma2 semaphore(%arg8 : memref<!tpu.dma_semaphore, #tpu.memory_space<semaphore_mem>>) src(%dma_wait3A_856 : memref<8x50x32xf32, #tpu.memory_space<vmem>>) dst(%dma_wait3A_851 : memref<8x50x32xf32, #tpu.memory_space<hbm>>)
      } else {
      }
      %add3A_829 = arith.constant 5 : i32
      %add3A_830 = arith.addi %scan3A_683, %add3A_829 : i32
      %lt3A = arith.constant 64 : i32
      %lt3A_831 = arith.cmpi slt, %add3A_830, %lt3A : i32
      %convert_element_type3A_832 = arith.extui %lt3A_831 : i1 to i32
      %cond3A_833 = arith.constant 0 : i32
      %cond3A_834 = arith.cmpi ne, %convert_element_type3A_832, %cond3A_833 : i32
      scf.if %cond3A_834 {
        %add3A_835 = arith.constant 5 : i32
        %add3A_836 = arith.addi %scan3A_683, %add3A_835 : i32
        %rem3A_837 = arith.constant 6 : i32
        %rem3A_838 = arith.remsi %add3A_836, %rem3A_837 : i32
        %mul3A_839 = arith.constant 8 : i32
        %mul3A_840 = arith.muli %add3A_836, %mul3A_839 : i32
        %add3A_841 = arith.constant 0 : i32
        %add3A_842 = arith.addi %mul3A_840, %add3A_841 : i32
        %dma_start3A_843 = arith.constant 0 : i32
        %dma_start3A_844 = arith.constant 0 : i32
        %dma_start3A_845 = arith.constant 0 : i32
        %dma_start3A_846 = tpu.memref_slice %arg6[%rem3A_838, %dma_start3A_843, %dma_start3A_844, %dma_start3A_845] : memref<6x8x50x32xf32, #tpu.memory_space<vmem>> -> memref<1x1x50x32xf32, #tpu.memory_space<vmem>>
        %dma_start3A_847 = tpu.memref_squeeze %dma_start3A_846 : memref<1x1x50x32xf32, #tpu.memory_space<vmem>> -> memref<50x32xf32, #tpu.memory_space<vmem>>
        %dma_start3A_848 = arith.constant 0 : i32
        %dma_start3A_849 = tpu.memref_slice %arg5[%add3A_842, %dma_start3A_848] : memref<512x50xi32, #tpu.memory_space<vmem>> -> memref<1x50xi32, #tpu.memory_space<vmem>>
        %dma_start3A_850 = tpu.memref_squeeze %dma_start3A_849 : memref<1x50xi32, #tpu.memory_space<vmem>> -> memref<50xi32, #tpu.memory_space<vmem>>
        %dma_start3A_851 = arith.constant 0 : i32
        %dma_start3A_852 = arith.constant 0 : i32
        %dma_start3A_853 = tpu.memref_slice %arg2[%dma_start3A_851, %dma_start3A_852] : memref<1000000x32xf32, #tpu.memory_space<hbm>> -> memref<1000000x32xf32, #tpu.memory_space<hbm>>
        tpu.enqueue_indirect_dma source(%dma_start3A_853 : memref<1000000x32xf32, #tpu.memory_space<hbm>>) target(%dma_start3A_847 : memref<50x32xf32, #tpu.memory_space<vmem>>) offsets(%dma_start3A_850 : memref<50xi32, #tpu.memory_space<vmem>>) semaphore(%arg7 : memref<!tpu.dma_semaphore, #tpu.memory_space<semaphore_mem>>)
        %mul3A_854 = arith.constant 8 : i32
        %mul3A_855 = arith.muli %add3A_836, %mul3A_854 : i32
        %add3A_856 = arith.constant 1 : i32
        %add3A_857 = arith.addi %mul3A_855, %add3A_856 : i32
        %dma_start3A_858 = arith.constant 1 : i32
        %dma_start3A_859 = arith.constant 0 : i32
        %dma_start3A_860 = arith.constant 0 : i32
        %dma_start3A_861 = tpu.memref_slice %arg6[%rem3A_838, %dma_start3A_858, %dma_start3A_859, %dma_start3A_860] : memref<6x8x50x32xf32, #tpu.memory_space<vmem>> -> memref<1x1x50x32xf32, #tpu.memory_space<vmem>>
        %dma_start3A_862 = tpu.memref_squeeze %dma_start3A_861 : memref<1x1x50x32xf32, #tpu.memory_space<vmem>> -> memref<50x32xf32, #tpu.memory_space<vmem>>
        %dma_start3A_863 = arith.constant 0 : i32
        %dma_start3A_864 = tpu.memref_slice %arg5[%add3A_857, %dma_start3A_863] : memref<512x50xi32, #tpu.memory_space<vmem>> -> memref<1x50xi32, #tpu.memory_space<vmem>>
        %dma_start3A_865 = tpu.memref_squeeze %dma_start3A_864 : memref<1x50xi32, #tpu.memory_space<vmem>> -> memref<50xi32, #tpu.memory_space<vmem>>
        %dma_start3A_866 = arith.constant 0 : i32
        %dma_start3A_867 = arith.constant 0 : i32
        %dma_start3A_868 = tpu.memref_slice %arg2[%dma_start3A_866, %dma_start3A_867] : memref<1000000x32xf32, #tpu.memory_space<hbm>> -> memref<1000000x32xf32, #tpu.memory_space<hbm>>
        tpu.enqueue_indirect_dma source(%dma_start3A_868 : memref<1000000x32xf32, #tpu.memory_space<hbm>>) target(%dma_start3A_862 : memref<50x32xf32, #tpu.memory_space<vmem>>) offsets(%dma_start3A_865 : memref<50xi32, #tpu.memory_space<vmem>>) semaphore(%arg7 : memref<!tpu.dma_semaphore, #tpu.memory_space<semaphore_mem>>)
        %mul3A_869 = arith.constant 8 : i32
        %mul3A_870 = arith.muli %add3A_836, %mul3A_869 : i32
        %add3A_871 = arith.constant 2 : i32
        %add3A_872 = arith.addi %mul3A_870, %add3A_871 : i32
        %dma_start3A_873 = arith.constant 2 : i32
        %dma_start3A_874 = arith.constant 0 : i32
        %dma_start3A_875 = arith.constant 0 : i32
        %dma_start3A_876 = tpu.memref_slice %arg6[%rem3A_838, %dma_start3A_873, %dma_start3A_874, %dma_start3A_875] : memref<6x8x50x32xf32, #tpu.memory_space<vmem>> -> memref<1x1x50x32xf32, #tpu.memory_space<vmem>>
        %dma_start3A_877 = tpu.memref_squeeze %dma_start3A_876 : memref<1x1x50x32xf32, #tpu.memory_space<vmem>> -> memref<50x32xf32, #tpu.memory_space<vmem>>
        %dma_start3A_878 = arith.constant 0 : i32
        %dma_start3A_879 = tpu.memref_slice %arg5[%add3A_872, %dma_start3A_878] : memref<512x50xi32, #tpu.memory_space<vmem>> -> memref<1x50xi32, #tpu.memory_space<vmem>>
        %dma_start3A_880 = tpu.memref_squeeze %dma_start3A_879 : memref<1x50xi32, #tpu.memory_space<vmem>> -> memref<50xi32, #tpu.memory_space<vmem>>
        %dma_start3A_881 = arith.constant 0 : i32
        %dma_start3A_882 = arith.constant 0 : i32
        %dma_start3A_883 = tpu.memref_slice %arg2[%dma_start3A_881, %dma_start3A_882] : memref<1000000x32xf32, #tpu.memory_space<hbm>> -> memref<1000000x32xf32, #tpu.memory_space<hbm>>
        tpu.enqueue_indirect_dma source(%dma_start3A_883 : memref<1000000x32xf32, #tpu.memory_space<hbm>>) target(%dma_start3A_877 : memref<50x32xf32, #tpu.memory_space<vmem>>) offsets(%dma_start3A_880 : memref<50xi32, #tpu.memory_space<vmem>>) semaphore(%arg7 : memref<!tpu.dma_semaphore, #tpu.memory_space<semaphore_mem>>)
        %mul3A_884 = arith.constant 8 : i32
        %mul3A_885 = arith.muli %add3A_836, %mul3A_884 : i32
        %add3A_886 = arith.constant 3 : i32
        %add3A_887 = arith.addi %mul3A_885, %add3A_886 : i32
        %dma_start3A_888 = arith.constant 3 : i32
        %dma_start3A_889 = arith.constant 0 : i32
        %dma_start3A_890 = arith.constant 0 : i32
        %dma_start3A_891 = tpu.memref_slice %arg6[%rem3A_838, %dma_start3A_888, %dma_start3A_889, %dma_start3A_890] : memref<6x8x50x32xf32, #tpu.memory_space<vmem>> -> memref<1x1x50x32xf32, #tpu.memory_space<vmem>>
        %dma_start3A_892 = tpu.memref_squeeze %dma_start3A_891 : memref<1x1x50x32xf32, #tpu.memory_space<vmem>> -> memref<50x32xf32, #tpu.memory_space<vmem>>
        %dma_start3A_893 = arith.constant 0 : i32
        %dma_start3A_894 = tpu.memref_slice %arg5[%add3A_887, %dma_start3A_893] : memref<512x50xi32, #tpu.memory_space<vmem>> -> memref<1x50xi32, #tpu.memory_space<vmem>>
        %dma_start3A_895 = tpu.memref_squeeze %dma_start3A_894 : memref<1x50xi32, #tpu.memory_space<vmem>> -> memref<50xi32, #tpu.memory_space<vmem>>
        %dma_start3A_896 = arith.constant 0 : i32
        %dma_start3A_897 = arith.constant 0 : i32
        %dma_start3A_898 = tpu.memref_slice %arg2[%dma_start3A_896, %dma_start3A_897] : memref<1000000x32xf32, #tpu.memory_space<hbm>> -> memref<1000000x32xf32, #tpu.memory_space<hbm>>
        tpu.enqueue_indirect_dma source(%dma_start3A_898 : memref<1000000x32xf32, #tpu.memory_space<hbm>>) target(%dma_start3A_892 : memref<50x32xf32, #tpu.memory_space<vmem>>) offsets(%dma_start3A_895 : memref<50xi32, #tpu.memory_space<vmem>>) semaphore(%arg7 : memref<!tpu.dma_semaphore, #tpu.memory_space<semaphore_mem>>)
        %mul3A_899 = arith.constant 8 : i32
        %mul3A_900 = arith.muli %add3A_836, %mul3A_899 : i32
        %add3A_901 = arith.constant 4 : i32
        %add3A_902 = arith.addi %mul3A_900, %add3A_901 : i32
        %dma_start3A_903 = arith.constant 4 : i32
        %dma_start3A_904 = arith.constant 0 : i32
        %dma_start3A_905 = arith.constant 0 : i32
        %dma_start3A_906 = tpu.memref_slice %arg6[%rem3A_838, %dma_start3A_903, %dma_start3A_904, %dma_start3A_905] : memref<6x8x50x32xf32, #tpu.memory_space<vmem>> -> memref<1x1x50x32xf32, #tpu.memory_space<vmem>>
        %dma_start3A_907 = tpu.memref_squeeze %dma_start3A_906 : memref<1x1x50x32xf32, #tpu.memory_space<vmem>> -> memref<50x32xf32, #tpu.memory_space<vmem>>
        %dma_start3A_908 = arith.constant 0 : i32
        %dma_start3A_909 = tpu.memref_slice %arg5[%add3A_902, %dma_start3A_908] : memref<512x50xi32, #tpu.memory_space<vmem>> -> memref<1x50xi32, #tpu.memory_space<vmem>>
        %dma_start3A_910 = tpu.memref_squeeze %dma_start3A_909 : memref<1x50xi32, #tpu.memory_space<vmem>> -> memref<50xi32, #tpu.memory_space<vmem>>
        %dma_start3A_911 = arith.constant 0 : i32
        %dma_start3A_912 = arith.constant 0 : i32
        %dma_start3A_913 = tpu.memref_slice %arg2[%dma_start3A_911, %dma_start3A_912] : memref<1000000x32xf32, #tpu.memory_space<hbm>> -> memref<1000000x32xf32, #tpu.memory_space<hbm>>
        tpu.enqueue_indirect_dma source(%dma_start3A_913 : memref<1000000x32xf32, #tpu.memory_space<hbm>>) target(%dma_start3A_907 : memref<50x32xf32, #tpu.memory_space<vmem>>) offsets(%dma_start3A_910 : memref<50xi32, #tpu.memory_space<vmem>>) semaphore(%arg7 : memref<!tpu.dma_semaphore, #tpu.memory_space<semaphore_mem>>)
        %mul3A_914 = arith.constant 8 : i32
        %mul3A_915 = arith.muli %add3A_836, %mul3A_914 : i32
        %add3A_916 = arith.constant 5 : i32
        %add3A_917 = arith.addi %mul3A_915, %add3A_916 : i32
        %dma_start3A_918 = arith.constant 5 : i32
        %dma_start3A_919 = arith.constant 0 : i32
        %dma_start3A_920 = arith.constant 0 : i32
        %dma_start3A_921 = tpu.memref_slice %arg6[%rem3A_838, %dma_start3A_918, %dma_start3A_919, %dma_start3A_920] : memref<6x8x50x32xf32, #tpu.memory_space<vmem>> -> memref<1x1x50x32xf32, #tpu.memory_space<vmem>>
        %dma_start3A_922 = tpu.memref_squeeze %dma_start3A_921 : memref<1x1x50x32xf32, #tpu.memory_space<vmem>> -> memref<50x32xf32, #tpu.memory_space<vmem>>
        %dma_start3A_923 = arith.constant 0 : i32
        %dma_start3A_924 = tpu.memref_slice %arg5[%add3A_917, %dma_start3A_923] : memref<512x50xi32, #tpu.memory_space<vmem>> -> memref<1x50xi32, #tpu.memory_space<vmem>>
        %dma_start3A_925 = tpu.memref_squeeze %dma_start3A_924 : memref<1x50xi32, #tpu.memory_space<vmem>> -> memref<50xi32, #tpu.memory_space<vmem>>
        %dma_start3A_926 = arith.constant 0 : i32
        %dma_start3A_927 = arith.constant 0 : i32
        %dma_start3A_928 = tpu.memref_slice %arg2[%dma_start3A_926, %dma_start3A_927] : memref<1000000x32xf32, #tpu.memory_space<hbm>> -> memref<1000000x32xf32, #tpu.memory_space<hbm>>
        tpu.enqueue_indirect_dma source(%dma_start3A_928 : memref<1000000x32xf32, #tpu.memory_space<hbm>>) target(%dma_start3A_922 : memref<50x32xf32, #tpu.memory_space<vmem>>) offsets(%dma_start3A_925 : memref<50xi32, #tpu.memory_space<vmem>>) semaphore(%arg7 : memref<!tpu.dma_semaphore, #tpu.memory_space<semaphore_mem>>)
        %mul3A_929 = arith.constant 8 : i32
        %mul3A_930 = arith.muli %add3A_836, %mul3A_929 : i32
        %add3A_931 = arith.constant 6 : i32
        %add3A_932 = arith.addi %mul3A_930, %add3A_931 : i32
        %dma_start3A_933 = arith.constant 6 : i32
        %dma_start3A_934 = arith.constant 0 : i32
        %dma_start3A_935 = arith.constant 0 : i32
        %dma_start3A_936 = tpu.memref_slice %arg6[%rem3A_838, %dma_start3A_933, %dma_start3A_934, %dma_start3A_935] : memref<6x8x50x32xf32, #tpu.memory_space<vmem>> -> memref<1x1x50x32xf32, #tpu.memory_space<vmem>>
        %dma_start3A_937 = tpu.memref_squeeze %dma_start3A_936 : memref<1x1x50x32xf32, #tpu.memory_space<vmem>> -> memref<50x32xf32, #tpu.memory_space<vmem>>
        %dma_start3A_938 = arith.constant 0 : i32
        %dma_start3A_939 = tpu.memref_slice %arg5[%add3A_932, %dma_start3A_938] : memref<512x50xi32, #tpu.memory_space<vmem>> -> memref<1x50xi32, #tpu.memory_space<vmem>>
        %dma_start3A_940 = tpu.memref_squeeze %dma_start3A_939 : memref<1x50xi32, #tpu.memory_space<vmem>> -> memref<50xi32, #tpu.memory_space<vmem>>
        %dma_start3A_941 = arith.constant 0 : i32
        %dma_start3A_942 = arith.constant 0 : i32
        %dma_start3A_943 = tpu.memref_slice %arg2[%dma_start3A_941, %dma_start3A_942] : memref<1000000x32xf32, #tpu.memory_space<hbm>> -> memref<1000000x32xf32, #tpu.memory_space<hbm>>
        tpu.enqueue_indirect_dma source(%dma_start3A_943 : memref<1000000x32xf32, #tpu.memory_space<hbm>>) target(%dma_start3A_937 : memref<50x32xf32, #tpu.memory_space<vmem>>) offsets(%dma_start3A_940 : memref<50xi32, #tpu.memory_space<vmem>>) semaphore(%arg7 : memref<!tpu.dma_semaphore, #tpu.memory_space<semaphore_mem>>)
        %mul3A_944 = arith.constant 8 : i32
        %mul3A_945 = arith.muli %add3A_836, %mul3A_944 : i32
        %add3A_946 = arith.constant 7 : i32
        %add3A_947 = arith.addi %mul3A_945, %add3A_946 : i32
        %dma_start3A_948 = arith.constant 7 : i32
        %dma_start3A_949 = arith.constant 0 : i32
        %dma_start3A_950 = arith.constant 0 : i32
        %dma_start3A_951 = tpu.memref_slice %arg6[%rem3A_838, %dma_start3A_948, %dma_start3A_949, %dma_start3A_950] : memref<6x8x50x32xf32, #tpu.memory_space<vmem>> -> memref<1x1x50x32xf32, #tpu.memory_space<vmem>>
        %dma_start3A_952 = tpu.memref_squeeze %dma_start3A_951 : memref<1x1x50x32xf32, #tpu.memory_space<vmem>> -> memref<50x32xf32, #tpu.memory_space<vmem>>
        %dma_start3A_953 = arith.constant 0 : i32
        %dma_start3A_954 = tpu.memref_slice %arg5[%add3A_947, %dma_start3A_953] : memref<512x50xi32, #tpu.memory_space<vmem>> -> memref<1x50xi32, #tpu.memory_space<vmem>>
        %dma_start3A_955 = tpu.memref_squeeze %dma_start3A_954 : memref<1x50xi32, #tpu.memory_space<vmem>> -> memref<50xi32, #tpu.memory_space<vmem>>
        %dma_start3A_956 = arith.constant 0 : i32
        %dma_start3A_957 = arith.constant 0 : i32
        %dma_start3A_958 = tpu.memref_slice %arg2[%dma_start3A_956, %dma_start3A_957] : memref<1000000x32xf32, #tpu.memory_space<hbm>> -> memref<1000000x32xf32, #tpu.memory_space<hbm>>
        tpu.enqueue_indirect_dma source(%dma_start3A_958 : memref<1000000x32xf32, #tpu.memory_space<hbm>>) target(%dma_start3A_952 : memref<50x32xf32, #tpu.memory_space<vmem>>) offsets(%dma_start3A_955 : memref<50xi32, #tpu.memory_space<vmem>>) semaphore(%arg7 : memref<!tpu.dma_semaphore, #tpu.memory_space<semaphore_mem>>)
      } else {
      }
    }
    %scan3A_660 = arith.constant 64 : i32
    %rem3A_661 = arith.constant 63 : i32
    %rem3A_662 = arith.constant 6 : i32
    %rem3A_663 = arith.remsi %rem3A_661, %rem3A_662 : i32
    %mul3A_664 = arith.constant 63 : i32
    %mul3A_665 = arith.constant 8 : i32
    %mul3A_666 = arith.muli %mul3A_664, %mul3A_665 : i32
    %add3A_667 = arith.addi %mul3A_2, %mul3A_666 : i32
    %dma_wait3A = arith.constant 0 : i32
    %dma_wait3A_668 = arith.constant 0 : i32
    %dma_wait3A_669 = arith.constant 0 : i32
    %dma_wait3A_670 = tpu.memref_slice %arg6[%rem3A_663, %dma_wait3A, %dma_wait3A_668, %dma_wait3A_669] : memref<6x8x50x32xf32, #tpu.memory_space<vmem>> -> memref<1x8x50x32xf32, #tpu.memory_space<vmem>>
    %dma_wait3A_671 = tpu.memref_squeeze %dma_wait3A_670 : memref<1x8x50x32xf32, #tpu.memory_space<vmem>> -> memref<8x50x32xf32, #tpu.memory_space<vmem>>
    %dma_wait3A_672 = arith.constant 0 : i32
    %dma_wait3A_673 = arith.constant 0 : i32
    %dma_wait3A_674 = tpu.memref_slice %arg4[%add3A_667, %dma_wait3A_672, %dma_wait3A_673] : memref<16384x50x32xf32, #tpu.memory_space<hbm>> -> memref<8x50x32xf32, #tpu.memory_space<hbm>>
    %dma_wait3A_675 = arith.constant 0 : i32
    %dma_wait3A_676 = arith.constant 0 : i32
    %dma_wait3A_677 = tpu.memref_slice %arg4[%add3A_667, %dma_wait3A_675, %dma_wait3A_676] : memref<16384x50x32xf32, #tpu.memory_space<hbm>> -> memref<8x50x32xf32, #tpu.memory_space<hbm>>
    %dma_wait3A_678 = arith.constant 0 : i32
    %dma_wait3A_679 = arith.constant 0 : i32
    %dma_wait3A_680 = arith.constant 0 : i32
    %dma_wait3A_681 = tpu.memref_slice %arg6[%rem3A_663, %dma_wait3A_678, %dma_wait3A_679, %dma_wait3A_680] : memref<6x8x50x32xf32, #tpu.memory_space<vmem>> -> memref<1x8x50x32xf32, #tpu.memory_space<vmem>>
    %dma_wait3A_682 = tpu.memref_squeeze %dma_wait3A_681 : memref<1x8x50x32xf32, #tpu.memory_space<vmem>> -> memref<8x50x32xf32, #tpu.memory_space<vmem>>
    tpu.wait_dma2 semaphore(%arg8 : memref<!tpu.dma_semaphore, #tpu.memory_space<semaphore_mem>>) src(%dma_wait3A_682 : memref<8x50x32xf32, #tpu.memory_space<vmem>>) dst(%dma_wait3A_677 : memref<8x50x32xf32, #tpu.memory_space<hbm>>)
    return
  }
}

</mosaic_0001>

<sc_bundles>
// kernel: kernel.3.cloned.1.call-start
scs
__scs_entry_jumppad:
0x0: {  	(pc) =	sbr.rel $0x88, $3  }
0x1: {  	(tag) =	ssettag $0x0;
	lr =	simm.s32 $0x1  }
0x2: {  	[smem:$0x3F9F] =	sst lr;
	_ =	strace $0xD0000000  }
0x3: {  	_ = 	snop  }
0x4: {  	_ = 	snop  }
0x5: {  	_ = 	snop  }
0x6: {  	_ = 	snop  }
0x7: {  	_ = 	snop  }
__scs_overlays_trampoline_lowered:
0x8: {  	[smem:$0x3FAE] =	sst s0  }
0x9: {  	[smem:$0x3FAF] =	sst s1  }
0xa: {  	[smem:$0x3FB0] =	sst s2  }
0xb: {  	[smem:$0x3FB1] =	sst s3  }
0xc: {  	[smem:$0x3FB2] =	sst s4  }
0xd: {  	[smem:$0x3FB3] =	sst s5  }
0xe: {  	[smem:$0x3FB4] =	sst s6  }
0xf: {  	[smem:$0x3FB5] =	sst s7  }
0x10: {  	[smem:$0x3FB6] =	sst s8  }
0x11: {  	[smem:$0x3FB7] =	sst s9;
	s0 =	simm.s32 @!p0 $0x0  }
0x12: {  	s1 =	sld [smem:$0x3F9D];
	s0 =	simm.s32 @p0 $0x1  }
0x13: {  	[smem:$0x3FB8] =	sst s0;
	s0 =	simm.s32 @!p1 $0x0  }
0x14: {  	s2 =	sld [smem:$0x3F9C];
	s0 =	simm.s32 @p1 $0x1  }
0x15: {  	[smem:$0x3FB9] =	sst s0;
	s0 =	simm.s32 @!p2 $0x0  }
0x16: {  	s3 =	sld [smem:$0x3FDB];
	s0 =	simm.s32 @p2 $0x1  }
0x17: {  	s4 =	simm.s32 $0x1BF5;
	[smem:$0x3FBB] =	sst s0  }
0x18: {  	s0 =	sld [smem:$0x3F9E];
	_ =	swait.ge [sflag:s4], $0x0  }
0x19: {  	s7 =	sld [smem:$0x3F9F]  }
0x1a: {  	s8 =	sadd.s32 $0xFFFFE003, lr  }
0x1b: {  	s9 =	sadd.s32 $0xFFFFFEF7, lr;
	s5 =	simm.s32 $0xFFFFFFFF;
	p2 =	slt.u32 s8, $0xFFFFF086  }
0x1c: {  	p1 =	slt.u32 s9, $0xF7A;
	s5 =	simm.s32 @!p2 $0x0  }
0x1d: {  	s5 =	simm.s32 @p1 $0x1;
	p0 =	seq.s32 s7, s2  }
0x1e: {  	s7 =	smul.u32 @!p0 $0xF7A, s2;
	p2 =	seq.s32 @!p0 s5, $0x0  }
0x1f: {  	s9 =	smul.u32 $0xF7A, s1;
	s8 =	simm.s32 @!p0 $0x1BF5;
	p2 =	por !p2, p0  }
0x20: {  	[sflag:s8] =	ssyncset.s32 @!p0 $0xFFFFF086;
	s6 =	sadd.s32 @!p0 s3, s7;
	s7 =	simm.s32 @!p0 $0x108  }
0x21: {  	s3 =	sadd.s32 s3, s9;
	s6 =	sadd.s32 @!p0 $0x88, s6;
	s7 =	simm.s32 @p2 $0x1082  }
0x22: {  	[simem:s7], [sflag:s8] =	dma.local @!p0 [hbm:s6], $0xF7A  }
0x23: {  	s9 =	sor.u32 $0xD0000000, s2;
	s6 =	simm.s32 $0x108;
	_ =	swait.ge @!p0 [sflag:s8], $0x0  }
0x24: {  	s3 =	sadd.s32 $0x88, s3;
	s6 =	simm.s32 @!p1 $0x1082;
	[sflag:s4] =	ssyncset.s32 $0xFFFFF086  }
0x25: {  	[simem:s6], [sflag:s4] =	dma.local [hbm:s3], $0xF7A  }
0x26: {  	[smem:$0x3F9F] =	sst s1;
	(tag) =	ssettag s2;
	_ =	strace s9  }
0x27: {  	s1 =	sld [smem:$0x3FAF]  }
0x28: {  	s2 =	sld [smem:$0x3FB0]  }
0x29: {  	s4 =	sld [smem:$0x3FB2]  }
0x2a: {  	p0 =	seq.s32 s5, $0x0;
	s5 =	sld [smem:$0x3FB3]  }
0x2b: {  	s6 =	sld [smem:$0x3FB4]  }
0x2c: {  	s7 =	sld [smem:$0x3FB5]  }
0x2d: {  	s3 =	simm.s32 $0x108;
	s8 =	sld [smem:$0x3FB6]  }
0x2e: {  	s3 =	simm.s32 @!p0 $0x1082;
	s9 =	sld [smem:$0x3FB7]  }
0x2f: {  	lr =	sadd.s32 s0, s3;
	s0 =	sld [smem:$0x3FAE]  }
0x30: {  	s3 =	sld [smem:$0x3FB1]  }
0x31: {  	[smem:$0x3FBA] =	sst s10  }
0x32: {  	s10 =	sld [smem:$0x3FB8];
	_ =	sdelay $0x3  }
0x33: {  	p0 =	seq.s32 s10, $0x1;
	s10 =	sld [smem:$0x3FBA];
	_ =	sdelay $0x3  }
0x34: {  	[smem:$0x3FBA] =	sst s10  }
0x35: {  	s10 =	sld [smem:$0x3FB9];
	_ =	sdelay $0x3  }
0x36: {  	p1 =	seq.s32 s10, $0x1;
	s10 =	sld [smem:$0x3FBA];
	_ =	sdelay $0x3  }
0x37: {  	[smem:$0x3FBA] =	sst s10  }
0x38: {  	s10 =	sld [smem:$0x3FBB]  }
0x39: {  	_ = 	snop;
	(pc) =	sbr.ind lr, $3  }
0x3a: {  	_ = 	snop  }
0x3b: {  	_ = 	snop  }
0x3c: {  	p2 =	seq.s32 s10, $0x1;
	s10 =	sld [smem:$0x3FBA]  }
0x3d: {  	_ =	shalt  }
0x3e: {  	_ =	shalt  }
0x3f: {  	_ =	shalt  }
0x40: {  	_ =	shalt  }
0x41: {  	_ =	shalt  }
0x42: {  	_ =	shalt  }
0x43: {  	_ =	shalt  }
0x44: {  	_ =	shalt  }
0x45: {  	_ =	shalt  }
0x46: {  	_ =	shalt  }
0x47: {  	_ =	shalt  }
0x48: {  	_ =	shalt  }
0x49: {  	_ =	shalt  }
0x4a: {  	_ =	shalt  }
0x4b: {  	_ =	shalt  }
0x4c: {  	_ =	shalt  }
0x4d: {  	_ =	shalt  }
0x4e: {  	_ =	shalt  }
0x4f: {  	_ =	shalt  }
0x50: {  	_ =	shalt  }
0x51: {  	_ =	shalt  }
0x52: {  	_ =	shalt  }
0x53: {  	_ =	shalt  }
0x54: {  	_ =	shalt  }
0x55: {  	_ =	shalt  }
0x56: {  	_ =	shalt  }
0x57: {  	_ =	shalt  }
0x58: {  	_ =	shalt  }
0x59: {  	_ =	shalt  }
0x5a: {  	_ =	shalt  }
0x5b: {  	_ =	shalt  }
0x5c: {  	_ =	shalt  }
0x5d: {  	_ =	shalt  }
0x5e: {  	_ =	shalt  }
0x5f: {  	_ =	shalt  }
0x60: {  	_ =	shalt  }
0x61: {  	_ =	shalt  }
0x62: {  	_ =	shalt  }
0x63: {  	_ =	shalt  }
0x64: {  	_ =	shalt  }
0x65: {  	_ =	shalt  }
0x66: {  	_ =	shalt  }
0x67: {  	_ =	shalt  }
0x68: {  	_ =	shalt  }
0x69: {  	_ =	shalt  }
0x6a: {  	_ =	shalt  }
0x6b: {  	_ =	shalt  }
0x6c: {  	_ =	shalt  }
0x6d: {  	_ =	shalt  }
0x6e: {  	_ =	shalt  }
0x6f: {  	_ =	shalt  }
0x70: {  	_ =	shalt  }
0x71: {  	_ =	shalt  }
0x72: {  	_ =	shalt  }
0x73: {  	_ =	shalt  }
0x74: {  	_ =	shalt  }
0x75: {  	_ =	shalt  }
0x76: {  	_ =	shalt  }
0x77: {  	_ =	shalt  }
0x78: {  	_ =	shalt  }
0x79: {  	_ =	shalt  }
0x7a: {  	_ =	shalt  }
0x7b: {  	_ =	shalt  }
0x7c: {  	_ =	shalt  }
0x7d: {  	_ =	shalt  }
0x7e: {  	_ =	shalt  }
0x7f: {  	_ =	shalt  }
0x80: {  	_ =	shalt  }
0x81: {  	_ =	shalt  }
0x82: {  	_ =	shalt  }
0x83: {  	_ =	shalt  }
0x84: {  	_ =	shalt  }
0x85: {  	_ =	shalt  }
0x86: {  	_ =	shalt  }
0x87: {  	_ =	shalt  }
.Lfunc_end0:
.L_simem_size_0:
called_computation.1_lowered:
.L_overlay_start_0:
0x88: {  	s2 =	sld [smem:$0x3FD9]  }
0x89: {  	s3 =	sld [smem:$0x3FFE];
	_ =	sdelay $0x1  }
0x8a: {  	s1 =	srdreg.scid  }
0x8b: {  	s0 =	sand.u32 $0x1, s1  }
0x8c: {  	s17 =	sshll.u32 s0, $0xA;
	s2 =	sadd.s32 s3, s2  }
0x8d: {  	s2 =	sadd.s32 s2, s17  }
0x8e: {  	[smem:$0x3FC6] =	sst s2  }
0x8f: {  	_ = 	snop  }
0x90: {  	s2 =	sld [smem:$0x3FD0];
	(tm) =	ssettm $0x1  }
0x91: {  	s18 =	sld [smem:$0x3FFB];
	_ =	sdelay $0x3  }
0x92: {  	_ =	strace s18  }
0x93: {  	s3 =	sld [smem:$0x3FFC];
	_ =	sdelay $0x3  }
0x94: {  	_ =	strace s3  }
0x95: {  	s3 =	sld [smem:$0x3FFD];
	_ =	sdelay $0x3  }
0x96: {  	_ =	strace s3  }
0x97: {  	_ =	strace $0x8FFFFFFF  }
0x98: {  	s19 =	sld [smem:$0x3FDB];
	_ =	sdelay $0x1  }
0x99: {  	s4 =	simm.s32 $_scs_section_size  }
0x9a: {  	s5 =	simm.s32 $_size__tile_overlayer_lowered;
	s6 =	simm.s32 $_tile_overlayer_lowered  }
0x9b: {  	s22 =	simm.s32 $0x1BFF;
	s21 =	sshll.u32 s6, $0x1;
	s3 =	sadd.s32 s4, s19  }
0x9c: {  	s7 =	simm.s32 $0x0;
	s20 =	sshll.u32 s5, $0x1;
	s5 =	sadd.s32 s21, s3  }
0x9d: {  	[timem:s7], [sflag:s22] =	dma.local [hbm:s5], s20  }
0x9e: {  	_ =	swait.ge [sflag:s22], s20  }
0x9f: {  	s4 =	ssub.s32 $0x0, s20;
	[sflag:s22] =	ssyncset.done $0x0  }
0xa0: {  	[sflag:s22] =	ssyncadd.s32 s4;
	_ =	sdelay $0x1  }
0xa1: {  	s23 =	simm.s32 $0x1B8B  }
0xa2: {  	_ =	swait.ge [sflag:s23], $0x1  }
0xa3: {  	[sflag:s23] =	ssyncset.done $0x0  }
0xa4: {  	s25 =	simm.s32 $0x1B8E;
	s24 =	sld [smem:$0x3FFE];
	[sflag:s23] =	ssyncadd.s32 $0xFFFFFFFF  }
0xa5: {  	s26 =	simm.s32 $execute0_lowered;
	[smem:$0x3FD2] =	sst s25  }
0xa6: {  	s5 =	sshll.u32 s26, $0x1;
	_ =	strace $0x80000046;
	[dreg:$0x1] =	wrdreg $0xFFFFFFFF  }
0xa7: {  	s28 =	simm.s32 $_size_execute0_lowered;
	s3 =	sadd.s32 s3, s5;
	[dreg:$0x0] =	wrdreg $0x0  }
0xa8: {  	s5 =	sshll.u32 s28, $0x1;
	[dreg:$0x2] =	wrdreg s3  }
0xa9: {  	[dreg:$0x3] =	wrdreg s5  }
0xaa: {  	[dreg:$0x4] =	wrdreg $0xC0  }
0xab: {  	_ =	task [dreg:s7], $0x5FFFF  }
0xac: {  	[dreg:$0x1] =	wrdreg $0xFFFFFFFF  }
0xad: {  	[dreg:$0x0] =	wrdreg $0x60  }
0xae: {  	[dreg:$0x2] =	wrdreg s24  }
0xaf: {  	[dreg:$0x3] =	wrdreg s2  }
0xb0: {  	[dreg:$0x4] =	wrdreg $0x9  }
0xb1: {  	_ =	task.clear_ibuf [dreg:s7], $0x5FFFF;
	_ =	strace $0x90000046  }
0xb2: {  	s29 =	simm.s32 $0x9;
	_ =	strace $0x80000048  }
0xb3: {  	_ =	swait.ge [sflag:s29], $0x1  }
0xb4: {  	[sflag:s29] =	ssyncadd.s32 $0xFFFFFFFF  }
0xb5: {  	_ =	strace $0x90000048  }
0xb6: {  	_ =	sfence  }
0xb7: {  	s30 =	sld [smem:$0x0];
	_ =	sdelay $0x2  }
0xb8: {  	s31 =	sshll.u32 s1, $0xD;
	s1 =	sshrl.u32 s1, $0x2  }
0xb9: {  	s3 =	sand.u32 $0x4000, s31;
	s1 =	sadd.s32 s1, s30  }
0xba: {  	s0 =	sor.u32 s3, s0;
	s1 =	sshll.u32 s1, $0x11  }
0xbb: {  	s0 =	sor.u32 s1, s0  }
0xbc: {  	s0 =	sadd.s32 $0x8F2B, s0  }
0xbd: {  	[sflag:s0] =	ssyncadd.remote.s32 $0x1  }
0xbe: {  	_ =	sfence.sel $0xFFFF  }
0xbf: {  	[dreg:$0x0] =	wrdreg $0xFFFFFFFF;
	(pc) =	sbr.abs _section_cstart, $3  }
0xc0: {  	[dreg:$0x1] =	wrdreg $0xFFFFFFFF  }
0xc1: {  	_ =	task.clear_ibuf [dreg:s7], $0x2FFFF;
	_ =	strace $0x9FFFFFFF  }
0xc2: {  	(tm) =	ssettm $0x7FFFFFFF  }
0xc3: {  	_ =	shalt  }
tec
execute0_lowered:
.L_overlay_start_1:
0x0: {  	(tag) =	ssettag $0x1  }
0x1: {  	s0 =	srdreg.scid  }
0x2: {  	s1 =	rddreg [dreg:$0x0];
	s7 =	stileid.u32  }
0x3: {  	s4 =	rddreg [dreg:$0x1];
	s2 =	simm.s32 $0x0;
	s28 =	simm.s32 $0x13E40  }
0x4: {  	s29 =	simm.s32 $0x770;
	s30 =	simm.s32 $0x14480;
	s31 =	simm.s32 $0x7A8  }
0x5: {  	s9 =	simm.s32 $0x15100;
	s10 =	simm.s32 $0x818;
	s11 =	simm.s32 $0x15740  }
0x6: {  	s12 =	simm.s32 $0x850;
	s13 =	simm.s32 $0x15D80;
	s14 =	simm.s32 $0x888  }
0x7: {  	s15 =	simm.s32 $0x163C0;
	s16 =	simm.s32 $0x1;
	s17 =	simm.s32 $0x2  }
0x8: {  	s18 =	simm.s32 $0x0;
	s0 =	sand.u32 $0x1, s0;
	s3 =	sshll.u32 s7, $0xA  }
0x9: {  	[smem:$0x7FF] =	sst s2;
	s7 =	smul.u32 $0x32000, s7;
	s5 =	sshll.u32 s0, $0x9  }
0xa: {  	_ =	strace $0x80000047;
	s6 =	ssub.s32 $0x2, s0;
	s0 =	smul.u32 $0x19000, s0  }
0xb: {  	s3 =	sor.u32 s5, s3;
	s8 =	sshrl.u32 s6, $0x1;
	s26 =	sadd.s32 s7, s4  }
0xc: {  	s7 =	simm.s32 $0x3;
	s5 =	smul.u32 $0x7, s3;
	s3 =	sadd.s32 $0xF42E00, s1  }
0xd: {  	s25 =	ssub.s32 s6, s8;
	s19 =	sadd.s32 s0, s26;
	s8 =	simm.s32 $0x32  }
0xe: {  	s26 =	simm.s32 $0x738;
	s0 =	simm.s32 $0x7E0;
	s1 =	sadd.s32 s5, s1  }
0xf: {  	s5 =	smax.u32 s25, $0x1;
	s4 =	sadd.s32 $0xA00, s1;
	s1 =	simm.s32 $0x14AC0  }
.LBB2_1:
0x10: {  	[tilespmem:s2], [sflag:$0x3] =	stream.linear.gather [hbm4b:s4+s2], $0x7000, $0x38;
	[tilespmem:$0x19C00] =	vst v63  }
0x11: {  	_ =	swait.ge [sflag:s7], $0x7000  }
0x12: {  	[sflag:s7] =	ssyncset.done $0x0  }
0x13: {  	s6 =	simm.s32 $0x7000;
	[sflag:s7] =	ssyncadd.s32 $0xFFFF9000  }
0x14: {  	[tilespmem:s6], [sflag:$0x1] =	stream.indirect.gather [hbm4b:s3+s8], $0x20, s2, s8, $0xb8;
	[tilespmem:$0x19C00] =	vst v63  }
0x15: {  	s23 =	simm.s32 $0x38;
	s20 =	simm.s32 $0x7640  }
0x16: {  	[tilespmem:s20], [sflag:$0x1] =	stream.indirect.gather [hbm4b:s3+s8], $0x20, s23, s8, $0xb8;
	[tilespmem:$0x19C00] =	vst v63  }
0x17: {  	s24 =	simm.s32 $0x70;
	s25 =	simm.s32 $0x7C80  }
0x18: {  	[tilespmem:s25], [sflag:$0x1] =	stream.indirect.gather [hbm4b:s3+s8], $0x20, s24, s8, $0xb8;
	[tilespmem:$0x19C00] =	vst v63  }
0x19: {  	s21 =	simm.s32 $0x82C0;
	s20 =	simm.s32 $0xA8  }
0x1a: {  	[tilespmem:s21], [sflag:$0x1] =	stream.indirect.gather [hbm4b:s3+s8], $0x20, s20, s8, $0xb8;
	[tilespmem:$0x19C00] =	vst v63  }
0x1b: {  	s22 =	simm.s32 $0xE0;
	s23 =	simm.s32 $0x8900  }
0x1c: {  	[tilespmem:s23], [sflag:$0x1] =	stream.indirect.gather [hbm4b:s3+s8], $0x20, s22, s8, $0xb8;
	[tilespmem:$0x19C00] =	vst v63  }
0x1d: {  	s24 =	simm.s32 $0x118;
	s25 =	simm.s32 $0x8F40  }
0x1e: {  	[tilespmem:s25], [sflag:$0x1] =	stream.indirect.gather [hbm4b:s3+s8], $0x20, s24, s8, $0xb8;
	[tilespmem:$0x19C00] =	vst v63  }
0x1f: {  	s20 =	simm.s32 $0x150;
	s21 =	simm.s32 $0x9580  }
0x20: {  	[tilespmem:s21], [sflag:$0x1] =	stream.indirect.gather [hbm4b:s3+s8], $0x20, s20, s8, $0xb8;
	[tilespmem:$0x19C00] =	vst v63  }
0x21: {  	s22 =	simm.s32 $0x188;
	s23 =	simm.s32 $0x9BC0  }
0x22: {  	[tilespmem:s23], [sflag:$0x1] =	stream.indirect.gather [hbm4b:s3+s8], $0x20, s22, s8, $0xb8;
	[tilespmem:$0x19C00] =	vst v63  }
0x23: {  	s24 =	simm.s32 $0x1C0;
	s25 =	simm.s32 $0xA200  }
0x24: {  	[tilespmem:s25], [sflag:$0x1] =	stream.indirect.gather [hbm4b:s3+s8], $0x20, s24, s8, $0xb8;
	[tilespmem:$0x19C00] =	vst v63  }
0x25: {  	s20 =	simm.s32 $0x1F8;
	s21 =	simm.s32 $0xA840  }
0x26: {  	[tilespmem:s21], [sflag:$0x1] =	stream.indirect.gather [hbm4b:s3+s8], $0x20, s20, s8, $0xb8;
	[tilespmem:$0x19C00] =	vst v63  }
0x27: {  	s22 =	simm.s32 $0x230;
	s23 =	simm.s32 $0xAE80  }
0x28: {  	[tilespmem:s23], [sflag:$0x1] =	stream.indirect.gather [hbm4b:s3+s8], $0x20, s22, s8, $0xb8;
	[tilespmem:$0x19C00] =	vst v63  }
0x29: {  	s24 =	simm.s32 $0x268;
	s25 =	simm.s32 $0xB4C0  }
0x2a: {  	[tilespmem:s25], [sflag:$0x1] =	stream.indirect.gather [hbm4b:s3+s8], $0x20, s24, s8, $0xb8;
	[tilespmem:$0x19C00] =	vst v63  }
0x2b: {  	s20 =	simm.s32 $0x2A0;
	s21 =	simm.s32 $0xBB00  }
0x2c: {  	[tilespmem:s21], [sflag:$0x1] =	stream.indirect.gather [hbm4b:s3+s8], $0x20, s20, s8, $0xb8;
	[tilespmem:$0x19C00] =	vst v63  }
0x2d: {  	s22 =	simm.s32 $0x2D8;
	s23 =	simm.s32 $0xC140  }
0x2e: {  	[tilespmem:s23], [sflag:$0x1] =	stream.indirect.gather [hbm4b:s3+s8], $0x20, s22, s8, $0xb8;
	[tilespmem:$0x19C00] =	vst v63  }
0x2f: {  	s24 =	simm.s32 $0x310;
	s25 =	simm.s32 $0xC780  }
0x30: {  	[tilespmem:s25], [sflag:$0x1] =	stream.indirect.gather [hbm4b:s3+s8], $0x20, s24, s8, $0xb8;
	[tilespmem:$0x19C00] =	vst v63  }
0x31: {  	s20 =	simm.s32 $0x348;
	s21 =	simm.s32 $0xCDC0  }
0x32: {  	[tilespmem:s21], [sflag:$0x1] =	stream.indirect.gather [hbm4b:s3+s8], $0x20, s20, s8, $0xb8;
	[tilespmem:$0x19C00] =	vst v63  }
0x33: {  	s22 =	simm.s32 $0x380;
	s23 =	simm.s32 $0xD400  }
0x34: {  	[tilespmem:s23], [sflag:$0x1] =	stream.indirect.gather [hbm4b:s3+s8], $0x20, s22, s8, $0xb8;
	[tilespmem:$0x19C00] =	vst v63  }
0x35: {  	s24 =	simm.s32 $0x3B8;
	s25 =	simm.s32 $0xDA40  }
0x36: {  	[tilespmem:s25], [sflag:$0x1] =	stream.indirect.gather [hbm4b:s3+s8], $0x20, s24, s8, $0xb8;
	[tilespmem:$0x19C00] =	vst v63  }
0x37: {  	s20 =	simm.s32 $0x3F0;
	s21 =	simm.s32 $0xE080  }
0x38: {  	[tilespmem:s21], [sflag:$0x1] =	stream.indirect.gather [hbm4b:s3+s8], $0x20, s20, s8, $0xb8;
	[tilespmem:$0x19C00] =	vst v63  }
0x39: {  	s22 =	simm.s32 $0x428;
	s23 =	simm.s32 $0xE6C0  }
0x3a: {  	[tilespmem:s23], [sflag:$0x1] =	stream.indirect.gather [hbm4b:s3+s8], $0x20, s22, s8, $0xb8;
	[tilespmem:$0x19C00] =	vst v63  }
0x3b: {  	s24 =	simm.s32 $0x460;
	s25 =	simm.s32 $0xED00  }
0x3c: {  	[tilespmem:s25], [sflag:$0x1] =	stream.indirect.gather [hbm4b:s3+s8], $0x20, s24, s8, $0xb8;
	[tilespmem:$0x19C00] =	vst v63  }
0x3d: {  	s20 =	simm.s32 $0x498;
	s21 =	simm.s32 $0xF340  }
0x3e: {  	[tilespmem:s21], [sflag:$0x1] =	stream.indirect.gather [hbm4b:s3+s8], $0x20, s20, s8, $0xb8;
	[tilespmem:$0x19C00] =	vst v63  }
0x3f: {  	s22 =	simm.s32 $0x4D0;
	s23 =	simm.s32 $0xF980  }
0x40: {  	[tilespmem:s23], [sflag:$0x1] =	stream.indirect.gather [hbm4b:s3+s8], $0x20, s22, s8, $0xb8;
	[tilespmem:$0x19C00] =	vst v63  }
0x41: {  	s24 =	simm.s32 $0x508;
	s25 =	simm.s32 $0xFFC0  }
0x42: {  	[tilespmem:s25], [sflag:$0x1] =	stream.indirect.gather [hbm4b:s3+s8], $0x20, s24, s8, $0xb8;
	[tilespmem:$0x19C00] =	vst v63  }
0x43: {  	s20 =	simm.s32 $0x540;
	s21 =	simm.s32 $0x10600  }
0x44: {  	[tilespmem:s21], [sflag:$0x1] =	stream.indirect.gather [hbm4b:s3+s8], $0x20, s20, s8, $0xb8;
	[tilespmem:$0x19C00] =	vst v63  }
0x45: {  	s22 =	simm.s32 $0x578;
	s23 =	simm.s32 $0x10C40  }
0x46: {  	[tilespmem:s23], [sflag:$0x1] =	stream.indirect.gather [hbm4b:s3+s8], $0x20, s22, s8, $0xb8;
	[tilespmem:$0x19C00] =	vst v63  }
0x47: {  	s24 =	simm.s32 $0x5B0;
	s25 =	simm.s32 $0x11280  }
0x48: {  	[tilespmem:s25], [sflag:$0x1] =	stream.indirect.gather [hbm4b:s3+s8], $0x20, s24, s8, $0xb8;
	[tilespmem:$0x19C00] =	vst v63  }
0x49: {  	s20 =	simm.s32 $0x5E8;
	s21 =	simm.s32 $0x118C0  }
0x4a: {  	[tilespmem:s21], [sflag:$0x1] =	stream.indirect.gather [hbm4b:s3+s8], $0x20, s20, s8, $0xb8;
	[tilespmem:$0x19C00] =	vst v63  }
0x4b: {  	s22 =	simm.s32 $0x620;
	s23 =	simm.s32 $0x11F00  }
0x4c: {  	[tilespmem:s23], [sflag:$0x1] =	stream.indirect.gather [hbm4b:s3+s8], $0x20, s22, s8, $0xb8;
	[tilespmem:$0x19C00] =	vst v63  }
0x4d: {  	s24 =	simm.s32 $0x658;
	s25 =	simm.s32 $0x12540  }
0x4e: {  	[tilespmem:s25], [sflag:$0x1] =	stream.indirect.gather [hbm4b:s3+s8], $0x20, s24, s8, $0xb8;
	[tilespmem:$0x19C00] =	vst v63  }
0x4f: {  	s20 =	simm.s32 $0x690;
	s21 =	simm.s32 $0x12B80  }
0x50: {  	[tilespmem:s21], [sflag:$0x1] =	stream.indirect.gather [hbm4b:s3+s8], $0x20, s20, s8, $0xb8;
	[tilespmem:$0x19C00] =	vst v63  }
0x51: {  	s22 =	simm.s32 $0x6C8;
	s23 =	simm.s32 $0x131C0  }
0x52: {  	[tilespmem:s23], [sflag:$0x1] =	stream.indirect.gather [hbm4b:s3+s8], $0x20, s22, s8, $0xb8;
	[tilespmem:$0x19C00] =	vst v63  }
0x53: {  	s24 =	simm.s32 $0x700;
	s25 =	simm.s32 $0x13800  }
0x54: {  	[tilespmem:s25], [sflag:$0x1] =	stream.indirect.gather [hbm4b:s3+s8], $0x20, s24, s8, $0xb8;
	[tilespmem:$0x19C00] =	vst v63  }
0x55: {  	_ = 	snop  }
0x56: {  	[tilespmem:s28], [sflag:$0x1] =	stream.indirect.gather [hbm4b:s3+s8], $0x20, s26, s8, $0xb8;
	[tilespmem:$0x19C00] =	vst v63  }
0x57: {  	_ = 	snop  }
0x58: {  	[tilespmem:s30], [sflag:$0x1] =	stream.indirect.gather [hbm4b:s3+s8], $0x20, s29, s8, $0xb8;
	[tilespmem:$0x19C00] =	vst v63  }
0x59: {  	_ = 	snop  }
0x5a: {  	[tilespmem:s1], [sflag:$0x1] =	stream.indirect.gather [hbm4b:s3+s8], $0x20, s31, s8, $0xb8;
	[tilespmem:$0x19C00] =	vst v63  }
0x5b: {  	_ = 	snop  }
0x5c: {  	[tilespmem:s9], [sflag:$0x1] =	stream.indirect.gather [hbm4b:s3+s8], $0x20, s0, s8, $0xb8;
	[tilespmem:$0x19C00] =	vst v63  }
0x5d: {  	_ = 	snop  }
0x5e: {  	[tilespmem:s11], [sflag:$0x1] =	stream.indirect.gather [hbm4b:s3+s8], $0x20, s10, s8, $0xb8;
	[tilespmem:$0x19C00] =	vst v63  }
0x5f: {  	_ = 	snop  }
0x60: {  	[tilespmem:s13], [sflag:$0x1] =	stream.indirect.gather [hbm4b:s3+s8], $0x20, s12, s8, $0xb8;
	[tilespmem:$0x19C00] =	vst v63  }
0x61: {  	s6 =	smov.u32 s19;
	s20 =	simm.s32 $0x0;
	s21 =	simm.s32 $0x0  }
0x62: {  	[tilespmem:s15], [sflag:$0x1] =	stream.indirect.gather [hbm4b:s3+s8], $0x20, s14, s8, $0xb8;
	[tilespmem:$0x19C00] =	vst v63  }
.LBB2_2:
0x63: {  	_ =	swait.ge [sflag:s16], $0x640  }
0x64: {  	[sflag:s16] =	ssyncset.done $0x0  }
0x65: {  	[sflag:s16] =	ssyncadd.s32 $0xFFFFF9C0  }
0x66: {  	_ =	swait.ge [sflag:s16], $0x640  }
0x67: {  	[sflag:s16] =	ssyncset.done $0x0  }
0x68: {  	[sflag:s16] =	ssyncadd.s32 $0xFFFFF9C0  }
0x69: {  	_ =	swait.ge [sflag:s16], $0x640  }
0x6a: {  	[sflag:s16] =	ssyncset.done $0x0  }
0x6b: {  	[sflag:s16] =	ssyncadd.s32 $0xFFFFF9C0  }
0x6c: {  	_ =	swait.ge [sflag:s16], $0x640  }
0x6d: {  	[sflag:s16] =	ssyncset.done $0x0  }
0x6e: {  	[sflag:s16] =	ssyncadd.s32 $0xFFFFF9C0  }
0x6f: {  	s22 =	smul.u32 $0xAB, s21;
	_ =	swait.ge [sflag:s16], $0x640  }
0x70: {  	[sflag:s16] =	ssyncset.done $0x0  }
0x71: {  	s22 =	sshrl.u32 s22, $0xA;
	[sflag:s16] =	ssyncadd.s32 $0xFFFFF9C0  }
0x72: {  	s22 =	sand.u32 $0x3F, s22;
	_ =	swait.ge [sflag:s16], $0x640  }
0x73: {  	s22 =	smul.u32 $0x6, s22;
	[sflag:s16] =	ssyncset.done $0x0  }
0x74: {  	[sflag:s16] =	ssyncadd.s32 $0xFFFFF9C0  }
0x75: {  	s22 =	ssub.s32 s21, s22;
	_ =	swait.ge [sflag:s16], $0x640  }
0x76: {  	s22 =	sand.u32 $0xFF, s22;
	[sflag:s16] =	ssyncset.done $0x0  }
0x77: {  	s22 =	smul.u32 $0xC800, s22;
	[sflag:s16] =	ssyncadd.s32 $0xFFFFF9C0  }
0x78: {  	_ =	swait.ge [sflag:s16], $0x640  }
0x79: {  	s22 =	sshrl.u32 s22, $0x2;
	[sflag:s16] =	ssyncset.done $0x0  }
0x7a: {  	p0 =	seq.s32 s20, $0x0;
	s22 =	sadd.s32 $0x7000, s22;
	[sflag:s16] =	ssyncadd.s32 $0xFFFFF9C0  }
0x7b: {  	[hbm4b:s6+s2] =	stream.linear.scatter [tilespmem:s22], [sflag:$0x2], $0x3200, $0x38;
	[tilespmem:$0x19C00] =	vst v63  }
0x7c: {  	s22 =	simm.s32 @!p0 $0x2  }
0x7d: {  	p1 =	sgt.u32 @!p0 s21, $0x3A;
	_ =	swait.ge @!p0 [sflag:s22], $0x3200  }
0x7e: {  	p1 =	por p0, !p1;
	[sflag:s22] =	ssyncset.done @!p0 $0x0  }
0x7f: {  	[sflag:s22] =	ssyncadd.s32 @!p0 $0xFFFFCE00;
	s22 =	sadd.s32 @p1 $0x5, s21  }
0x80: {  	s23 =	smul.u32 @p1 $0xAB, s22;
	_ =	sdelay $0x1  }
0x81: {  	s23 =	sshrl.u32 @p1 s23, $0xA  }
0x82: {  	s23 =	sand.u32 @p1 $0x3F, s23  }
0x83: {  	s23 =	smul.u32 @p1 $0x6, s23;
	_ =	sdelay $0x1  }
0x84: {  	s22 =	ssub.s32 @p1 s22, s23  }
0x85: {  	s22 =	sand.u32 @p1 $0xFF, s22  }
0x86: {  	s22 =	smul.u32 @p1 $0xC800, s22;
	_ =	sdelay $0x1  }
0x87: {  	s23 =	sshra.s32 @p1 s20, $0x2;
	s22 =	sshrl.u32 @p1 s22, $0x2  }
0x88: {  	s25 =	sadd.s32 @p1 $0x8C0, s23;
	s24 =	sadd.s32 @p1 $0x7000, s22  }
0x89: {  	[tilespmem:s24], [sflag:$0x1] =	stream.indirect.gather @p1 [hbm4b:s3+s8], $0x20, s25, s8, $0xb8;
	[tilespmem:$0x19C00] =	vst v63  }
0x8a: {  	s24 =	sadd.s32 @p1 $0x7640, s22;
	s25 =	sadd.s32 @p1 $0x8F8, s23  }
0x8b: {  	[tilespmem:s24], [sflag:$0x1] =	stream.indirect.gather @p1 [hbm4b:s3+s8], $0x20, s25, s8, $0xb8;
	[tilespmem:$0x19C00] =	vst v63  }
0x8c: {  	s24 =	sadd.s32 @p1 $0x7C80, s22;
	s25 =	sadd.s32 @p1 $0x930, s23  }
0x8d: {  	[tilespmem:s24], [sflag:$0x1] =	stream.indirect.gather @p1 [hbm4b:s3+s8], $0x20, s25, s8, $0xb8;
	[tilespmem:$0x19C00] =	vst v63  }
0x8e: {  	s24 =	sadd.s32 @p1 $0x82C0, s22;
	s25 =	sadd.s32 @p1 $0x968, s23  }
0x8f: {  	[tilespmem:s24], [sflag:$0x1] =	stream.indirect.gather @p1 [hbm4b:s3+s8], $0x20, s25, s8, $0xb8;
	[tilespmem:$0x19C00] =	vst v63  }
0x90: {  	s20 =	sadd.s32 $0x700, s20;
	s24 =	sadd.s32 @p1 $0x8900, s22;
	s25 =	sadd.s32 @p1 $0x9A0, s23  }
0x91: {  	[tilespmem:s24], [sflag:$0x1] =	stream.indirect.gather @p1 [hbm4b:s3+s8], $0x20, s25, s8, $0xb8;
	[tilespmem:$0x19C00] =	vst v63  }
0x92: {  	p0 =	sne.s32 s20, $0x1C000;
	s24 =	sadd.s32 @p1 $0x8F40, s22;
	s25 =	sadd.s32 @p1 $0x9D8, s23  }
0x93: {  	[tilespmem:s24], [sflag:$0x1] =	stream.indirect.gather @p1 [hbm4b:s3+s8], $0x20, s25, s8, $0xb8;
	[tilespmem:$0x19C00] =	vst v63  }
.Ltmp0:
0x94: {  	_ = 	snop;
	(pc) =	sbr.rel @p0 .LBB2_2-.Ltmp0, $4  }
0x95: {  	s6 =	sadd.s32 $0x640, s6;
	s24 =	sadd.s32 @p1 $0x9580, s22;
	s25 =	sadd.s32 @p1 $0xA10, s23  }
0x96: {  	[tilespmem:s24], [sflag:$0x1] =	stream.indirect.gather @p1 [hbm4b:s3+s8], $0x20, s25, s8, $0xb8;
	[tilespmem:$0x19C00] =	vst v63  }
0x97: {  	s21 =	sadd.s32 $0x1, s21;
	s22 =	sadd.s32 @p1 $0x9BC0, s22;
	s23 =	sadd.s32 @p1 $0xA48, s23  }
0x98: {  	[tilespmem:s22], [sflag:$0x1] =	stream.indirect.gather @p1 [hbm4b:s3+s8], $0x20, s23, s8, $0xb8;
	[tilespmem:$0x19C00] =	vst v63  }
0x99: {  	s18 =	sadd.s32 $0x1, s18  }
0x9a: {  	p0 =	sne.s32 s18, s5  }
.Ltmp1:
0x9b: {  	_ = 	snop;
	(pc) =	sbr.rel @p0 .LBB2_1-.Ltmp1, $4  }
0x9c: {  	_ = 	snop  }
0x9d: {  	_ =	swait.ge [sflag:s17], $0x3200  }
0x9e: {  	[sflag:s17] =	ssyncset.done $0x0  }
0x9f: {  	[sflag:s17] =	ssyncadd.s32 $0xFFFFCE00  }
0xa0: {  	_ =	sfence.sel $0x180000  }
0xa1: {  	[bflag:$0x0] =	sbarrier.arrive $0xFFFF  }
0xa2: {  	_ =	strace $0x90000047  }
0xa3: {  	s0 =	stileid.u32;
	[bflag:$0x2] =	sbarrier.arrive $0xFFFF  }
0xa4: {  	p0 =	sne.s32 s0, $0x0;
	s0 =	rddreg [dreg:$0x2]  }
0xa5: {  	s0 =	sadd.s32 @!p0 $0x100000, s0  }
0xa6: {  	[sflag:s0] =	ssyncadd.tile.s32 @!p0 $0x1;
	_ =	shalt  }
.Lfunc_end2:
_tile_overlayer_lowered:
.L_overlay_start_2:
0xa7: {  	(tag) =	ssettag $0x2  }
0xa8: {  	s0 =	rddreg [dreg:$0x0];
	s2 =	stileid.u32  }
0xa9: {  	s1 =	rddreg [dreg:$0x1];
	p0 =	sne.s32 s2, $0x0  }
0xaa: {  	s3 =	rddreg [dreg:$0x2];
	[bflag:$0x3] =	sbarrier.arrive $0xFFFF;
	s2 =	simm.s32 @!p0 $0x1C03  }
0xab: {  	[timem:s3], [sflag:s2] =	dma.local @!p0 [hbm:s0], s1  }
0xac: {  	s0 =	simm.s32 @!p0 $0x3  }
0xad: {  	_ =	swait.ge @!p0 [sflag:s0], s1  }
0xae: {  	s1 =	ssub.s32 @!p0 $0x0, s1;
	[sflag:s0] =	ssyncset.done @!p0 $0x0  }
0xaf: {  	[sflag:s0] =	ssyncadd.s32 @!p0 s1  }
0xb0: {  	[bflag:$0x3] =	sbarrier.arrive $0xFFFF  }
0xb1: {  	_ =	shalt  }

// kernel: sparse-core-data-format-call.cloned.1.call-start
scs
called_computation_lowered:
.L_overlay_start_0:
0x0: {  	s2 =	sld [smem:$0x3FD9]  }
0x1: {  	s3 =	sld [smem:$0x3FFE];
	_ =	sdelay $0x1  }
0x2: {  	s1 =	srdreg.scid  }
0x3: {  	s0 =	sand.u32 $0x1, s1  }
0x4: {  	s18 =	sshll.u32 s0, $0xA;
	s2 =	sadd.s32 s3, s2  }
0x5: {  	s2 =	sadd.s32 s2, s18  }
0x6: {  	[smem:$0x3FC6] =	sst s2  }
0x7: {  	_ = 	snop  }
0x8: {  	s2 =	sld [smem:$0x3FD0];
	(tm) =	ssettm $0x1  }
0x9: {  	s19 =	sld [smem:$0x3FFB];
	_ =	sdelay $0x3  }
0xa: {  	_ =	strace s19  }
0xb: {  	s3 =	sld [smem:$0x3FFC];
	_ =	sdelay $0x3  }
0xc: {  	_ =	strace s3  }
0xd: {  	s3 =	sld [smem:$0x3FFD];
	_ =	sdelay $0x3  }
0xe: {  	_ =	strace s3  }
0xf: {  	_ =	strace $0x8FFFFFFF  }
0x10: {  	s20 =	sld [smem:$0x3FDB];
	_ =	sdelay $0x1  }
0x11: {  	s4 =	simm.s32 $_scs_section_size  }
0x12: {  	s5 =	simm.s32 $_size__tile_overlayer_lowered;
	s6 =	simm.s32 $_tile_overlayer_lowered  }
0x13: {  	s23 =	simm.s32 $0x1BFF;
	s22 =	sshll.u32 s6, $0x1;
	s3 =	sadd.s32 s4, s20  }
0x14: {  	s7 =	simm.s32 $0x0;
	s21 =	sshll.u32 s5, $0x1;
	s5 =	sadd.s32 s22, s3  }
0x15: {  	[timem:s7], [sflag:s23] =	dma.local [hbm:s5], s21  }
0x16: {  	_ =	swait.ge [sflag:s23], s21  }
0x17: {  	s4 =	ssub.s32 $0x0, s21;
	[sflag:s23] =	ssyncset.done $0x0  }
0x18: {  	[sflag:s23] =	ssyncadd.s32 s4;
	_ =	sdelay $0x1  }
0x19: {  	s24 =	simm.s32 $0x1B8B  }
0x1a: {  	_ =	swait.ge [sflag:s24], $0x1  }
0x1b: {  	[sflag:s24] =	ssyncset.done $0x0  }
0x1c: {  	s26 =	simm.s32 $0x1B8E;
	s25 =	sld [smem:$0x3FFE];
	[sflag:s24] =	ssyncadd.s32 $0xFFFFFFFF  }
0x1d: {  	s27 =	simm.s32 $execute0_lowered;
	[smem:$0x3FD2] =	sst s26  }
0x1e: {  	s5 =	sshll.u32 s27, $0x1;
	_ =	strace $0x80000049;
	[dreg:$0x1] =	wrdreg $0xFFFFFFFF  }
0x1f: {  	s28 =	simm.s32 $_size_execute0_lowered;
	s3 =	sadd.s32 s3, s5;
	[dreg:$0x0] =	wrdreg $0x0  }
0x20: {  	s5 =	sshll.u32 s28, $0x1;
	[dreg:$0x2] =	wrdreg s3  }
0x21: {  	[dreg:$0x3] =	wrdreg s5  }
0x22: {  	[dreg:$0x4] =	wrdreg $0xC0  }
0x23: {  	_ =	task [dreg:s7], $0x5FFFF  }
0x24: {  	[dreg:$0x1] =	wrdreg $0xFFFFFFFF  }
0x25: {  	[dreg:$0x0] =	wrdreg $0x60  }
0x26: {  	[dreg:$0x2] =	wrdreg s25  }
0x27: {  	[dreg:$0x3] =	wrdreg s2  }
0x28: {  	[dreg:$0x4] =	wrdreg $0x9  }
0x29: {  	_ =	task.clear_ibuf [dreg:s7], $0x5FFFF;
	_ =	strace $0x90000049  }
0x2a: {  	s29 =	simm.s32 $0x9;
	_ =	strace $0x8000004B  }
0x2b: {  	_ =	swait.ge [sflag:s29], $0x1  }
0x2c: {  	[sflag:s29] =	ssyncadd.s32 $0xFFFFFFFF  }
0x2d: {  	_ =	strace $0x9000004B  }
0x2e: {  	_ =	sfence  }
0x2f: {  	s30 =	sld [smem:$0x0];
	_ =	sdelay $0x2  }
0x30: {  	s31 =	sshll.u32 s1, $0xD;
	s1 =	sshrl.u32 s1, $0x2  }
0x31: {  	s3 =	sand.u32 $0x4000, s31;
	s1 =	sadd.s32 s1, s30  }
0x32: {  	s0 =	sor.u32 s3, s0;
	s1 =	sshll.u32 s1, $0x11  }
0x33: {  	s0 =	sor.u32 s1, s0  }
0x34: {  	s0 =	sadd.s32 $0x8F2B, s0  }
0x35: {  	[sflag:s0] =	ssyncadd.remote.s32 $0x1  }
0x36: {  	_ =	sfence.sel $0xFFFF  }
0x37: {  	[dreg:$0x0] =	wrdreg $0xFFFFFFFF;
	(pc) =	sbr.abs _section_cstart, $3  }
0x38: {  	[dreg:$0x1] =	wrdreg $0xFFFFFFFF  }
0x39: {  	_ =	task.clear_ibuf [dreg:s7], $0x2FFFF;
	_ =	strace $0x9FFFFFFF  }
0x3a: {  	(tm) =	ssettm $0x7FFFFFFF  }
0x3b: {  	_ =	shalt  }
tec
execute0_lowered:
.L_overlay_start_1:
0x0: {  	(tag) =	ssettag $0x1  }
0x1: {  	s0 =	srdreg.scid  }
0x2: {  	s1 =	sshll.u32 s0, $0x4  }
0x3: {  	s0 =	stileid.u32;
	s1 =	sand.u32 $0x10, s1  }
0x4: {  	s1 =	sor.u32 s0, s1  }
0x5: {  	s6 =	rddreg [dreg:$0x0];
	s4 =	simm.s32 $0x1;
	s2 =	sshll.u32 s1, $0x7  }
0x6: {  	s7 =	simm.s32 $0x2;
	s12 =	simm.s32 $0x0;
	s1 =	ssub.s32 $0x4000, s2  }
0x7: {  	s8 =	simm.s32 $0x20000;
	s13 =	simm.s32 $0x0;
	s3 =	sand.u32 $0xF80, s1  }
0x8: {  	s9 =	simm.s32 $0x0;
	s5 =	sshrl.u32 s1, $0xC;
	p0 =	sne.s32 s3, $0x0  }
.Ltmp0:
0x9: {  	s1 =	rddreg [dreg:$0x2];
	s4 =	simm.s32 @!p0 $0x0;
	(pc) =	sbr.rel .LBB1_1-.Ltmp0, $4  }
0xa: {  	s11 =	simm.s32 $0x0;
	s3 =	rddreg [dreg:$0x1];
	s5 =	sadd.s32 s4, s5  }
0xb: {  	_ =	strace $0x8000004A;
	s4 =	simm.s32 $0x1;
	s5 =	smul.u32 $0x32, s5  }
0xc: {  	s6 =	sadd.s32 $0xA00, s6;
	s10 =	smov.u32 s2;
	[sflag:s4] =	ssyncpa.u1 $0x0  }
0xd: {  	p0 =	por $0x0, $0x0;
	[sflag:s7] =	ssyncpa.u1 $0x0;
	s7 =	sor.u32 $0x1, s5  }
.LBB1_4:
0xe: {  	s16 =	sshll.u32 s13, $0x3;
	s17 =	sand.u32 $0x78, s13  }
0xf: {  	s30 =	sand.u32 $0xF800, s13;
	s12 =	sshll.u32 s12, $0x10;
	s16 =	sand.u32 $0x3C00, s16  }
0x10: {  	s31 =	sand.u32 $0x7, s13;
	s16 =	sor.u32 s17, s16;
	s17 =	sadd.s32 s3, s30  }
0x11: {  	s13 =	sshll.u32 s31, $0x12;
	s16 =	sshrl.u32 s16, $0x3;
	s12 =	sadd.s32 s12, s17  }
0x12: {  	[tilespmem:s15+$0x0 ss:$0x81] =	vst.msk $0xffff, v0;
	s13 =	sor.u32 $0x400, s13;
	s12 =	sadd.s32 s16, s12  }
0x13: {  	[hbm4b:s12+s13] =	stream.strided.scatter [tilespmem:s14], [sflag:$0x2], $0x1000, s8, s13, $0x20;
	[tilespmem:$0x4040] =	vst v63  }
.LBB1_5:
0x14: {  	s14 =	sadd.s32 $0x1, s9  }
0x15: {  	s12 =	sadd.s32 $0x1000, s10;
	s16 =	smov.u32 s10;
	p2 =	sgt.s32 s14, $0x31  }
0x16: {  	s16 =	smov.u32 @p2 s12  }
0x17: {  	s14 =	simm.s32 @p2 $0x0;
	p2 =	sgt.s32 s16, $0x3FFF  }
0x18: {  	s16 =	smov.u32 @p2 s2;
	p2 =	sne.s32 s11, s7  }
.Ltmp1:
0x19: {  	p1 =	slt.u32 s11, $0x2;
	(pc) =	sbr.rel @!p2 .LBB1_6-.Ltmp1, $4  }
0x1a: {  	s15 =	simm.s32 @!p1 $0x2  }
0x1b: {  	s13 =	smov.u32 s10;
	p0 =	por !p0, !p0;
	_ =	swait.ge @!p1 [sflag:s15], $0x1000  }
0x1c: {  	s12 =	smov.u32 s9;
	[sflag:s15] =	ssyncset.done @!p1 $0x0;
	s9 =	smov.u32 s14  }
0x1d: {  	s11 =	sadd.s32 $0x1, s11;
	[sflag:s15] =	ssyncadd.s32 @!p1 $0xFFFFF000;
	s10 =	smov.u32 s16  }
.LBB1_1:
0x1e: {  	p1 =	sge.u32 s11, s5  }
0x1f: {  	s14 =	sand.u32 @!p1 $0x1FFFFFF, s9  }
0x20: {  	s15 =	smulhi.u32 @!p1 $0x4924925, s14;
	_ =	sdelay $0x1  }
0x21: {  	s15 =	smul.u32 @!p1 $0x38, s15  }
0x22: {  	s16 =	sxor.u32 @!p1 $0xFFFFFFFF, s11;
	s17 =	smul.u32 @!p1 $0x380, s10  }
0x23: {  	s31 =	sadd.s32 $0xFFFFFFFF, s11;
	s16 =	sshll.u32 @!p1 s16, $0xC;
	s14 =	ssub.s32 @!p1 s14, s15  }
0x24: {  	s15 =	sand.u32 @!p1 $0x1000, s16;
	s16 =	sadd.s32 @!p1 s6, s17;
	s14 =	sshll.u32 @!p1 s14, $0x4  }
0x25: {  	s17 =	simm.s32 @!p1 $0x1C00;
	s14 =	sadd.s32 @!p1 s14, s16;
	s16 =	simm.s32 @!p1 $0x20  }
0x26: {  	[tilespmem:s15], [sflag:$0x1] =	stream.strided.gather @!p1 [hbm4b:s14+s16], $0x1000, s17, s16, $0x38;
	[tilespmem:$0x4040] =	vst v63  }
0x27: {  	p1 =	sge.u32 s31, s5  }
.Ltmp2:
0x28: {  	_ = 	snop;
	(pc) =	sbr.rel @p1 .LBB1_5-.Ltmp2, $1  }
0x29: {  	_ =	sdelay $0x3  }
0x2a: {  	s14 =	simm.s32 $0x1  }
0x2b: {  	_ =	swait.ge [sflag:s4], $0x1000;
	s14 =	simm.s32 @!p0 $0x0  }
0x2c: {  	[sflag:s4] =	ssyncset.done $0x0;
	s15 =	sshll.u32 s14, $0xC  }
0x2d: {  	[sflag:s4] =	ssyncadd.s32 $0xFFFFF000;
	s18 =	sor.u32 $0x10, s15  }
0x2e: {  	s14 =	smul.u32 $0x4080, s14;
	v1 =	vld [tilespmem:s18+$0x0]  }
0x2f: {  	s30 =	sand.u32 $0x1, s11;
	v0 =	vld [tilespmem:s18+$0xFFFFFFF0]  }
0x30: {  	s15 =	smul.u32 $0x4080, s30;
	s14 =	sshrl.u32 s14, $0x2  }
0x31: {  	s16 =	sor.u32 $0x2000, s14  }
0x32: {  	s31 =	sshrl.u32 s15, $0x2;
	s15 =	sadd.s32 $0x0, s16  }
0x33: {  	s17 =	simm.s32 $0x4;
	s18 =	sadd.s32 $0x20, s18;
	s14 =	sor.u32 $0x2000, s31;
	[tilespmem:s15+$0x810 ss:$0x81] =	vst.msk $0xffff, v1  }
.LBB1_3:
0x34: {  	v1 =	vld [tilespmem:s18+$0x0];
	p1 =	sne.s32 s17, $0x1FC;
	[tilespmem:s15+$0x0 ss:$0x81] =	vst.msk $0xffff, v0;
	s15 =	smov.u32 s17;
	s17 =	sadd.s32 $0x4, s17  }
.Ltmp3:
0x35: {  	v0 =	vld [tilespmem:s18+$0xFFFFFFF0];
	(pc) =	sbr.rel @p1 .LBB1_3-.Ltmp3, $4  }
0x36: {  	_ = 	snop  }
0x37: {  	s15 =	sshra.s32 s15, $0x2  }
0x38: {  	s15 =	sadd.s32 s15, s16  }
0x39: {  	s18 =	sadd.s32 $0x20, s18;
	[tilespmem:s15+$0x810 ss:$0x81] =	vst.msk $0xffff, v1  }
.Ltmp4:
0x3a: {  	_ = 	snop;
	(pc) =	sbr.rel .LBB1_4-.Ltmp4, $1  }
0x3b: {  	_ =	sdelay $0x3  }
.LBB1_6:
0x3c: {  	_ =	sfence.sel $0x180000  }
0x3d: {  	s2 =	simm.s32 $0x1;
	[bflag:$0x0] =	sbarrier.arrive $0xFFFF  }
0x3e: {  	s31 =	simm.s32 $0x2;
	[sflag:s2] =	ssyncpa.u1 $0x1  }
0x3f: {  	[sflag:s31] =	ssyncpa.u1 $0x1  }
0x40: {  	p0 =	sne.s32 s0, $0x0;
	_ =	strace $0x9000004A  }
0x41: {  	s0 =	sadd.s32 @!p0 $0x100000, s1;
	[bflag:$0x2] =	sbarrier.arrive $0xFFFF  }
0x42: {  	[sflag:s0] =	ssyncadd.tile.s32 @!p0 $0x1;
	_ =	shalt  }
.Lfunc_end1:
_tile_overlayer_lowered:
.L_overlay_start_2:
0x43: {  	(tag) =	ssettag $0x2  }
0x44: {  	s0 =	rddreg [dreg:$0x0];
	s2 =	stileid.u32  }
0x45: {  	s1 =	rddreg [dreg:$0x1];
	p0 =	sne.s32 s2, $0x0  }
0x46: {  	s3 =	rddreg [dreg:$0x2];
	[bflag:$0x3] =	sbarrier.arrive $0xFFFF;
	s2 =	simm.s32 @!p0 $0x1C01  }
0x47: {  	[timem:s3], [sflag:s2] =	dma.local @!p0 [hbm:s0], s1  }
0x48: {  	s0 =	simm.s32 @!p0 $0x1  }
0x49: {  	_ =	swait.ge @!p0 [sflag:s0], s1  }
0x4a: {  	s1 =	ssub.s32 @!p0 $0x0, s1;
	[sflag:s0] =	ssyncset.done @!p0 $0x0  }
0x4b: {  	[sflag:s0] =	ssyncadd.s32 @!p0 s1  }
0x4c: {  	[bflag:$0x3] =	sbarrier.arrive $0xFFFF  }
0x4d: {  	_ =	shalt  }

</sc_bundles>
